<compile_context>
chip_gen: v7x
topology: tpu7x:2x2x1
jax: 0.10.2.dev20260603
libtpu: 0.0.44.dev20260713+nightly
codegen_flags: <defaults>
</compile_context>

<pallas_src>
import functools

import jax
import jax.numpy as jnp
from jax import lax
from jax.experimental import pallas as pl
from jax.experimental.pallas import tpu as pltpu
from jax.experimental.pallas import tpu_sc as plsc

N = 10000
E = 320000
D = 128
DH = D // 2
G = 128
NC = 2
NS = 16
C = 128
K = -(-E // (NS * C))
EPAD = NS * K * C
NPAD = 10240
RT = NPAD // NS
CNTW = 16
BR = 1024
NB = 4


def _sc_body(with_cnt, x2_hbm, src_hbm, dst_hbm, *refs):
    if with_cnt:
        (s_out, c_out, src_v, dst_v, r0, r1, r2, r3, ones_v, zb16, acc,
         cacc, sem0, sem1, sem2, sem3) = refs
    else:
        (s_out, src_v, dst_v, r0, r1, r2, r3, acc,
         sem0, sem1, sem2, sem3) = refs
    bufs = (r0, r1, r2, r3)
    sems = (sem0, sem1, sem2, sem3)

    c = lax.axis_index("c")
    s = lax.axis_index("s")

    pltpu.sync_copy(src_hbm.at[s], src_v)
    pltpu.sync_copy(dst_hbm.at[s], dst_v)

    def xform(k, carry):
        for jj in range(C // 16):
            sl = pl.ds(jj * 16, 16)
            src_v[k, sl] = src_v[k, sl] * 2 + c
        return carry

    lax.fori_loop(0, K, xform, 0)

    def zrow(i, carry):
        for jj in range(DH // 16):
            r0[i, pl.ds(jj * 16, 16)] = jnp.zeros((16,), jnp.float32)
        return carry

    lax.fori_loop(0, C, zrow, 0)
    for k in range(RT // C):
        pltpu.sync_copy(r0, acc.at[pl.ds(s * RT + k * C, C)])

    if with_cnt:
        def crow(i, carry):
            zb16[i, pl.ds(0, CNTW)] = jnp.zeros((CNTW,), jnp.float32)
            ones_v[i, pl.ds(0, CNTW)] = jnp.ones((CNTW,), jnp.float32)
            return carry

        lax.fori_loop(0, C, crow, 0)
        for k in range(RT // C):
            pltpu.sync_copy(zb16, cacc.at[pl.ds(s * RT + k * C, C)])

    for jj in range(NB - 1):
        pltpu.async_copy(x2_hbm.at[src_v.at[jj]], bufs[jj], sems[jj])

    plsc.subcore_barrier()

    def step(j, carry):
        for b in range(NB):
            @pl.when(lax.rem(j, NB) == b)
            def _proc(b=b):
                pltpu.make_async_copy(x2_hbm.at[src_v.at[j]], bufs[b],
                                      sems[b]).wait()
                nxt = j + NB - 1
                pb = (b - 1) % NB

                @pl.when(nxt < K)
                def _pref():
                    pltpu.async_copy(x2_hbm.at[src_v.at[nxt]], bufs[pb],
                                     sems[pb])

                pltpu.sync_copy(bufs[b], acc.at[dst_v.at[j]], add=True)
        if with_cnt:
            @pl.when(lax.rem(j, 2) == c)
            def _cnt():
                pltpu.sync_copy(ones_v, cacc.at[dst_v.at[j]], add=True)
        return carry

    lax.fori_loop(0, K, step, 0)

    plsc.subcore_barrier()

    pltpu.sync_copy(acc.at[pl.ds(s * RT, RT)],
                    s_out.at[c, pl.ds(s * RT, RT)])
    if with_cnt:
        pltpu.sync_copy(cacc.at[pl.ds(s * RT, RT)],
                        c_out.at[c, pl.ds(s * RT, RT)])


def _make_sc_segsum(with_cnt):
    mesh = plsc.VectorSubcoreMesh(core_axis_name="c", subcore_axis_name="s",
                                  num_cores=NC, num_subcores=NS)
    out_type = [jax.ShapeDtypeStruct((NC, NPAD, DH), jnp.float32)]
    scratch = [
        pltpu.VMEM((K, C), jnp.int32),
        pltpu.VMEM((K, C), jnp.int32),
    ]
    scratch += [pltpu.VMEM((C, DH), jnp.float32) for _ in range(NB)]
    if with_cnt:
        out_type.append(jax.ShapeDtypeStruct((NC, NPAD, CNTW), jnp.float32))
        scratch += [
            pltpu.VMEM((C, CNTW), jnp.float32),
            pltpu.VMEM((C, CNTW), jnp.float32),
        ]
    scratch.append(pltpu.VMEM_SHARED((NPAD, DH), jnp.float32))
    if with_cnt:
        scratch.append(pltpu.VMEM_SHARED((NPAD, CNTW), jnp.float32))
    scratch += [pltpu.SemaphoreType.DMA for _ in range(NB)]
    return pl.kernel(functools.partial(_sc_body, with_cnt),
                     out_type=tuple(out_type), mesh=mesh,
                     scratch_types=tuple(scratch),
                     compiler_params=pltpu.CompilerParams(
                         use_tc_tiling_on_sc=False))


_sc_segsum_cnt = _make_sc_segsum(True)
_sc_segsum = _make_sc_segsum(False)

_CONTRACT_T = (((1,), (1,)), ((), ()))


def _layer1_body(sa, sb, ca, cb, x, wl, wr, b, o):
    ssum = jnp.concatenate((sa[0], sb[0]), axis=1)
    cnt = ca[0, :, 0:1] + cb[0, :, 0:1]
    agg = ssum / jnp.maximum(cnt, 1.0)
    h = lax.dot_general(agg, wl[...], _CONTRACT_T,
                        preferred_element_type=jnp.float32)
    h = h + lax.dot_general(x[...], wr[...], _CONTRACT_T,
                            preferred_element_type=jnp.float32)
    o[...] = jnp.maximum(h + b[...], 0.0)


def _layer2_body(sa, sb, ca, cb, h1, wl, wr, b, bt, wlin, blin, o,
                 pacc, gacc):
    i = pl.program_id(0)

    @pl.when(i == 0)
    def _init():
        pacc[...] = jnp.zeros_like(pacc)
        gacc[...] = jnp.zeros_like(gacc)

    ssum = jnp.concatenate((sa[0], sb[0]), axis=1)
    cnt = ca[0, :, 0:1] + cb[0, :, 0:1]
    agg = ssum / jnp.maximum(cnt, 1.0)
    h = lax.dot_general(agg, wl[...], _CONTRACT_T,
                        preferred_element_type=jnp.float32)
    h = h + lax.dot_general(h1[...], wr[...], _CONTRACT_T,
                            preferred_element_type=jnp.float32)
    h2 = jnp.maximum(h + b[...], 0.0)

    gid = bt[:, 0]
    onehot = (gid[None, :] ==
              lax.broadcasted_iota(jnp.int32, (G, BR), 0)
              ).astype(jnp.float32)
    pacc[...] += lax.dot_general(onehot, h2, (((1,), (0,)), ((), ())),
                                 preferred_element_type=jnp.float32)
    gacc[...] += jnp.broadcast_to(
        jnp.sum(onehot, axis=1, keepdims=True), (G, D))

    @pl.when(i == pl.num_programs(0) - 1)
    def _fin():
        pooled = pacc[...] / jnp.maximum(gacc[...], 1.0)
        o[...] = lax.dot_general(pooled, wlin[...], _CONTRACT_T,
                                 preferred_element_type=jnp.float32) + blin[...]


def _tc_layer1(s1, cnt, xp, wl, wr, b):
    grid = NPAD // BR
    return pl.pallas_call(
        _layer1_body,
        grid=(grid,),
        in_specs=[
            pl.BlockSpec((1, BR, DH), lambda i: (0, i, 0)),
            pl.BlockSpec((1, BR, DH), lambda i: (1, i, 0)),
            pl.BlockSpec((1, BR, CNTW), lambda i: (0, i, 0)),
            pl.BlockSpec((1, BR, CNTW), lambda i: (1, i, 0)),
            pl.BlockSpec((BR, D), lambda i: (i, 0)),
            pl.BlockSpec((D, D), lambda i: (0, 0)),
            pl.BlockSpec((D, D), lambda i: (0, 0)),
            pl.BlockSpec((1, D), lambda i: (0, 0)),
        ],
        out_specs=pl.BlockSpec((BR, D), lambda i: (i, 0)),
        out_shape=jax.ShapeDtypeStruct((NPAD, D), jnp.float32),
    )(s1, s1, cnt, cnt, xp, wl, wr, b)


def _tc_layer2(s2, cnt, h1, wl, wr, b, batchp, wlin, blin):
    grid = NPAD // BR
    return pl.pallas_call(
        _layer2_body,
        grid=(grid,),
        in_specs=[
            pl.BlockSpec((1, BR, DH), lambda i: (0, i, 0)),
            pl.BlockSpec((1, BR, DH), lambda i: (1, i, 0)),
            pl.BlockSpec((1, BR, CNTW), lambda i: (0, i, 0)),
            pl.BlockSpec((1, BR, CNTW), lambda i: (1, i, 0)),
            pl.BlockSpec((BR, D), lambda i: (i, 0)),
            pl.BlockSpec((D, D), lambda i: (0, 0)),
            pl.BlockSpec((D, D), lambda i: (0, 0)),
            pl.BlockSpec((1, D), lambda i: (0, 0)),
            pl.BlockSpec((BR, 1), lambda i: (i, 0)),
            pl.BlockSpec((D, D), lambda i: (0, 0)),
            pl.BlockSpec((1, D), lambda i: (0, 0)),
        ],
        out_specs=pl.BlockSpec((G, D), lambda i: (0, 0)),
        out_shape=jax.ShapeDtypeStruct((G, D), jnp.float32),
        scratch_shapes=[
            pltpu.VMEM((G, D), jnp.float32),
            pltpu.VMEM((G, D), jnp.float32),
        ],
    )(s2, s2, cnt, cnt, h1, wl, wr, b, batchp, wlin, blin)


def kernel(x, edge_index, batch, W1l, W1r, b1, W2l, W2r, b2, Wlin, blin):
    xp = jnp.pad(x, ((0, NPAD - N), (0, 0)))
    x2 = x.reshape(2 * N, DH)
    src = jnp.concatenate(
        [edge_index[0], jnp.zeros((EPAD - E,), jnp.int32)]).reshape(NS, K, C)
    dst = jnp.concatenate(
        [edge_index[1], jnp.full((EPAD - E,), N, jnp.int32)]).reshape(NS, K, C)
    batchp = jnp.concatenate(
        [batch, jnp.full((NPAD - N,), G, jnp.int32)]).reshape(NPAD, 1)

    s1, cnt = _sc_segsum_cnt(x2, src, dst)
    h1 = _tc_layer1(s1, cnt, xp, W1l, W1r, b1.reshape(1, D))
    (s2,) = _sc_segsum(h1.reshape(2 * NPAD, DH), src, dst)
    return _tc_layer2(s2, cnt, h1, W2l, W2r, b2.reshape(1, D),
                      batchp, Wlin, blin.reshape(1, D))

# --- scband reference (transcript-rebuilt; emitter-appended) ---
"""Pipeline reference for scband-gnn-18786186952946 (READ-ONLY COPY).

The authoritative reference and input builder live on the scoring server;
editing this copy changes nothing except your own understanding.
"""

import jax, jax.numpy as jnp
import numpy as np

N = 10000
E = 320000
D = 128
H = 128
O = 128
G = 128


def setup_inputs(seed: int = 0) -> dict:
    key = jax.random.key(seed)
    ks = jax.random.split(key, 12)
    x = jax.random.normal(ks[0], (N, D), dtype=jnp.float32)
    edge_index = jax.random.randint(ks[1], (2, E), 0, N, dtype=jnp.int32)
    batch = jnp.sort(jax.random.randint(ks[2], (N,), 0, G, dtype=jnp.int32))
    s1 = 1.0 / np.sqrt(D)
    s2 = 1.0 / np.sqrt(H)
    W1l = jax.random.uniform(ks[3], (H, D), dtype=jnp.float32, minval=-s1, maxval=s1)
    W1r = jax.random.uniform(ks[4], (H, D), dtype=jnp.float32, minval=-s1, maxval=s1)
    b1 = jax.random.uniform(ks[5], (H,), dtype=jnp.float32, minval=-s1, maxval=s1)
    W2l = jax.random.uniform(ks[6], (H, H), dtype=jnp.float32, minval=-s2, maxval=s2)
    W2r = jax.random.uniform(ks[7], (H, H), dtype=jnp.float32, minval=-s2, maxval=s2)
    b2 = jax.random.uniform(ks[8], (H,), dtype=jnp.float32, minval=-s2, maxval=s2)
    Wlin = jax.random.uniform(ks[9], (O, H), dtype=jnp.float32, minval=-s2, maxval=s2)
    blin = jax.random.uniform(ks[10], (O,), dtype=jnp.float32, minval=-s2, maxval=s2)
    return {"x": x, "edge_index": edge_index, "batch": batch,
            "W1l": W1l, "W1r": W1r, "b1": b1,
            "W2l": W2l, "W2r": W2r, "b2": b2,
            "Wlin": Wlin, "blin": blin}


def _sage_conv(x, src, dst, Wl, Wr, bl):
    # SAGEConv with mean aggregation: lin_l(mean_agg(neighbors)) + lin_r(x)
    msgs = jnp.take(x, src, axis=0)                      # gather [E, d]
    s = jax.ops.segment_sum(msgs, dst, num_segments=N)   # scatter-add [N, d]
    cnt = jax.ops.segment_sum(jnp.ones((src.shape[0], 1), dtype=x.dtype), dst, num_segments=N)
    agg = s / jnp.maximum(cnt, 1.0)
    return agg @ Wl.T + bl + x @ Wr.T


def reference(x, edge_index, batch, W1l, W1r, b1, W2l, W2r, b2, Wlin, blin):
    src = edge_index[0]
    dst = edge_index[1]
    h = jax.nn.relu(_sage_conv(x, src, dst, W1l, W1r, b1))
    # dropout(p=0.5) is identity in eval mode (training=False)
    h = jax.nn.relu(_sage_conv(h, src, dst, W2l, W2r, b2))
    # global_mean_pool over graph ids
    s = jax.ops.segment_sum(h, batch, num_segments=G)
    c = jax.ops.segment_sum(jnp.ones((N, 1), dtype=h.dtype), batch, num_segments=G)
    pooled = s / jnp.maximum(c, 1.0)
    return pooled @ Wlin.T + blin

if __name__ == "__main__":
    import jax
    _d = setup_inputs()
    print(jax.jit(kernel)(*tuple(_d.values())))

</pallas_src>

<mosaic_0001>
#map = affine_map<(d0, d1) -> (0, 0)>
#map1 = affine_map<(d0, d1) -> (0, 0, 0)>
module attributes {stable_mosaic.version = 14 : i64} {
  func.func @_sc_body(%arg0: i32, %arg1: i32, %arg2: memref<20480x64xf32, #tpu.memory_space<hbm>>, %arg3: memref<16x157x128xi32, #tpu.memory_space<hbm>>, %arg4: memref<16x157x128xi32, #tpu.memory_space<hbm>>, %arg5: memref<2x10240x64xf32, #tpu.memory_space<hbm>>, %arg6: memref<157x128xi32, #tpu.memory_space<vmem>>, %arg7: memref<157x128xi32, #tpu.memory_space<vmem>>, %arg8: memref<128x64xf32, #tpu.memory_space<vmem>>, %arg9: memref<128x64xf32, #tpu.memory_space<vmem>>, %arg10: memref<128x64xf32, #tpu.memory_space<vmem>>, %arg11: memref<128x64xf32, #tpu.memory_space<vmem>>, %arg12: memref<10240x64xf32, #tpu.memory_space<vmem_shared>>, %arg13: memref<!tpu.dma_semaphore, #tpu.memory_space<semaphore_mem>>, %arg14: memref<!tpu.dma_semaphore, #tpu.memory_space<semaphore_mem>>, %arg15: memref<!tpu.dma_semaphore, #tpu.memory_space<semaphore_mem>>, %arg16: memref<!tpu.dma_semaphore, #tpu.memory_space<semaphore_mem>>) attributes {dimension_semantics = [#tpu.dimension_semantics<core_parallel>, #tpu.dimension_semantics<subcore_parallel>], iteration_bounds = array<i64: 2, 16>, scalar_prefetch = 0 : i64, scratch_operands = 11 : i64, tpu.core_type = #tpu.core_type<sc_vector_subcore>, window_params = [{transform_indices = #map}, {transform_indices = #map1}, {transform_indices = #map1}, {transform_indices = #map1}]} {
    "tpu.region"() ({
      %run_scoped3A = tpu.sem_alloc : memref<!tpu.dma_semaphore, #tpu.memory_space<semaphore_mem>>
      %dma_start3A_60 = arith.constant 0 : i32
      %dma_start3A_61 = arith.constant 0 : i32
      %dma_start3A_62 = tpu.memref_slice %arg3[%arg1, %dma_start3A_60, %dma_start3A_61] : memref<16x157x128xi32, #tpu.memory_space<hbm>> -> memref<1x157x128xi32, #tpu.memory_space<hbm>>
      %dma_start3A_63 = tpu.memref_squeeze %dma_start3A_62 : memref<1x157x128xi32, #tpu.memory_space<hbm>> -> memref<157x128xi32, #tpu.memory_space<hbm>>
      %dma_start3A_64 = arith.constant 0 : i32
      %dma_start3A_65 = arith.constant 0 : i32
      %dma_start3A_66 = tpu.memref_slice %arg3[%arg1, %dma_start3A_64, %dma_start3A_65] : memref<16x157x128xi32, #tpu.memory_space<hbm>> -> memref<1x157x128xi32, #tpu.memory_space<hbm>>
      %dma_start3A_67 = tpu.memref_squeeze %dma_start3A_66 : memref<1x157x128xi32, #tpu.memory_space<hbm>> -> memref<157x128xi32, #tpu.memory_space<hbm>>
      tpu.enqueue_dma source(%dma_start3A_67 : memref<157x128xi32, #tpu.memory_space<hbm>>) target(%arg6 : memref<157x128xi32, #tpu.memory_space<vmem>>) target_semaphore(%run_scoped3A : memref<!tpu.dma_semaphore, #tpu.memory_space<semaphore_mem>>)
      %dma_wait3A = arith.constant 0 : i32
      %dma_wait3A_68 = arith.constant 0 : i32
      %dma_wait3A_69 = tpu.memref_slice %arg3[%arg1, %dma_wait3A, %dma_wait3A_68] : memref<16x157x128xi32, #tpu.memory_space<hbm>> -> memref<1x157x128xi32, #tpu.memory_space<hbm>>
      %dma_wait3A_70 = tpu.memref_squeeze %dma_wait3A_69 : memref<1x157x128xi32, #tpu.memory_space<hbm>> -> memref<157x128xi32, #tpu.memory_space<hbm>>
      %dma_wait3A_71 = arith.constant 0 : i32
      %dma_wait3A_72 = arith.constant 0 : i32
      %dma_wait3A_73 = tpu.memref_slice %arg3[%arg1, %dma_wait3A_71, %dma_wait3A_72] : memref<16x157x128xi32, #tpu.memory_space<hbm>> -> memref<1x157x128xi32, #tpu.memory_space<hbm>>
      %dma_wait3A_74 = tpu.memref_squeeze %dma_wait3A_73 : memref<1x157x128xi32, #tpu.memory_space<hbm>> -> memref<157x128xi32, #tpu.memory_space<hbm>>
      tpu.wait_dma2 semaphore(%run_scoped3A : memref<!tpu.dma_semaphore, #tpu.memory_space<semaphore_mem>>) src(%dma_wait3A_74 : memref<157x128xi32, #tpu.memory_space<hbm>>) dst(%arg6 : memref<157x128xi32, #tpu.memory_space<vmem>>)
      tpu.yield
    }) : () -> ()
    "tpu.region"() ({
      %run_scoped3A = tpu.sem_alloc : memref<!tpu.dma_semaphore, #tpu.memory_space<semaphore_mem>>
      %dma_start3A_60 = arith.constant 0 : i32
      %dma_start3A_61 = arith.constant 0 : i32
      %dma_start3A_62 = tpu.memref_slice %arg4[%arg1, %dma_start3A_60, %dma_start3A_61] : memref<16x157x128xi32, #tpu.memory_space<hbm>> -> memref<1x157x128xi32, #tpu.memory_space<hbm>>
      %dma_start3A_63 = tpu.memref_squeeze %dma_start3A_62 : memref<1x157x128xi32, #tpu.memory_space<hbm>> -> memref<157x128xi32, #tpu.memory_space<hbm>>
      %dma_start3A_64 = arith.constant 0 : i32
      %dma_start3A_65 = arith.constant 0 : i32
      %dma_start3A_66 = tpu.memref_slice %arg4[%arg1, %dma_start3A_64, %dma_start3A_65] : memref<16x157x128xi32, #tpu.memory_space<hbm>> -> memref<1x157x128xi32, #tpu.memory_space<hbm>>
      %dma_start3A_67 = tpu.memref_squeeze %dma_start3A_66 : memref<1x157x128xi32, #tpu.memory_space<hbm>> -> memref<157x128xi32, #tpu.memory_space<hbm>>
      tpu.enqueue_dma source(%dma_start3A_67 : memref<157x128xi32, #tpu.memory_space<hbm>>) target(%arg7 : memref<157x128xi32, #tpu.memory_space<vmem>>) target_semaphore(%run_scoped3A : memref<!tpu.dma_semaphore, #tpu.memory_space<semaphore_mem>>)
      %dma_wait3A = arith.constant 0 : i32
      %dma_wait3A_68 = arith.constant 0 : i32
      %dma_wait3A_69 = tpu.memref_slice %arg4[%arg1, %dma_wait3A, %dma_wait3A_68] : memref<16x157x128xi32, #tpu.memory_space<hbm>> -> memref<1x157x128xi32, #tpu.memory_space<hbm>>
      %dma_wait3A_70 = tpu.memref_squeeze %dma_wait3A_69 : memref<1x157x128xi32, #tpu.memory_space<hbm>> -> memref<157x128xi32, #tpu.memory_space<hbm>>
      %dma_wait3A_71 = arith.constant 0 : i32
      %dma_wait3A_72 = arith.constant 0 : i32
      %dma_wait3A_73 = tpu.memref_slice %arg4[%arg1, %dma_wait3A_71, %dma_wait3A_72] : memref<16x157x128xi32, #tpu.memory_space<hbm>> -> memref<1x157x128xi32, #tpu.memory_space<hbm>>
      %dma_wait3A_74 = tpu.memref_squeeze %dma_wait3A_73 : memref<1x157x128xi32, #tpu.memory_space<hbm>> -> memref<157x128xi32, #tpu.memory_space<hbm>>
      tpu.wait_dma2 semaphore(%run_scoped3A : memref<!tpu.dma_semaphore, #tpu.memory_space<semaphore_mem>>) src(%dma_wait3A_74 : memref<157x128xi32, #tpu.memory_space<hbm>>) dst(%arg7 : memref<157x128xi32, #tpu.memory_space<vmem>>)
      tpu.yield
    }) : () -> ()
    %scan3A = arith.constant 0 : i32
    %scan3A_0 = arith.constant 0 : i32
    %scan3A_1 = arith.constant 157 : i32
    %scan3A_2 = arith.addi %scan3A_0, %scan3A_1 : i32
    %scan3A_3 = arith.constant 1 : i32
    scf.for %scan3A_60 = %scan3A_0 to %scan3A_2 step %scan3A_3  : i32 {
      %get3A = arith.index_cast %scan3A_60 : i32 to index
      %get3A_61 = arith.constant 0 : index
      %get3A_62 = tpu.vector_load %arg6[%get3A, %get3A_61] {strides = array<i32>} : memref<157x128xi32, #tpu.memory_space<vmem>>, vector<1x16xi32>,
      %get3A_63 = vector.shape_cast %get3A_62 : vector<1x16xi32> to vector<16xi32>
      %mul3A_64 = arith.constant 2 : i32
      %mul3A_65 = vector.broadcast %mul3A_64 : i32 to vector<16xi32>
      %mul3A_66 = arith.muli %get3A_63, %mul3A_65 : vector<16xi32>
      %add3A_67 = vector.broadcast %arg0 : i32 to vector<16xi32>
      %add3A_68 = arith.addi %mul3A_66, %add3A_67 : vector<16xi32>
      %swap3A = arith.index_cast %scan3A_60 : i32 to index
      %swap3A_69 = arith.constant 0 : index
      %swap3A_70 = tpu.vector_load %arg6[%swap3A, %swap3A_69] {strides = array<i32>} : memref<157x128xi32, #tpu.memory_space<vmem>>, vector<1x16xi32>,
      %swap3A_71 = vector.shape_cast %swap3A_70 : vector<1x16xi32> to vector<16xi32>
      %swap3A_72 = vector.shape_cast %add3A_68 : vector<16xi32> to vector<1x16xi32>
      tpu.vector_store %arg6[%swap3A, %swap3A_69], %swap3A_72 {strides = array<i32>} : memref<157x128xi32, #tpu.memory_space<vmem>>, vector<1x16xi32>,
      %get3A_73 = arith.index_cast %scan3A_60 : i32 to index
      %get3A_74 = arith.constant 16 : index
      %get3A_75 = tpu.vector_load %arg6[%get3A_73, %get3A_74] {strides = array<i32>} : memref<157x128xi32, #tpu.memory_space<vmem>>, vector<1x16xi32>,
      %get3A_76 = vector.shape_cast %get3A_75 : vector<1x16xi32> to vector<16xi32>
      %mul3A_77 = arith.constant 2 : i32
      %mul3A_78 = vector.broadcast %mul3A_77 : i32 to vector<16xi32>
      %mul3A_79 = arith.muli %get3A_76, %mul3A_78 : vector<16xi32>
      %add3A_80 = vector.broadcast %arg0 : i32 to vector<16xi32>
      %add3A_81 = arith.addi %mul3A_79, %add3A_80 : vector<16xi32>
      %swap3A_82 = arith.index_cast %scan3A_60 : i32 to index
      %swap3A_83 = arith.constant 16 : index
      %swap3A_84 = tpu.vector_load %arg6[%swap3A_82, %swap3A_83] {strides = array<i32>} : memref<157x128xi32, #tpu.memory_space<vmem>>, vector<1x16xi32>,
      %swap3A_85 = vector.shape_cast %swap3A_84 : vector<1x16xi32> to vector<16xi32>
      %swap3A_86 = vector.shape_cast %add3A_81 : vector<16xi32> to vector<1x16xi32>
      tpu.vector_store %arg6[%swap3A_82, %swap3A_83], %swap3A_86 {strides = array<i32>} : memref<157x128xi32, #tpu.memory_space<vmem>>, vector<1x16xi32>,
      %get3A_87 = arith.index_cast %scan3A_60 : i32 to index
      %get3A_88 = arith.constant 32 : index
      %get3A_89 = tpu.vector_load %arg6[%get3A_87, %get3A_88] {strides = array<i32>} : memref<157x128xi32, #tpu.memory_space<vmem>>, vector<1x16xi32>,
      %get3A_90 = vector.shape_cast %get3A_89 : vector<1x16xi32> to vector<16xi32>
      %mul3A_91 = arith.constant 2 : i32
      %mul3A_92 = vector.broadcast %mul3A_91 : i32 to vector<16xi32>
      %mul3A_93 = arith.muli %get3A_90, %mul3A_92 : vector<16xi32>
      %add3A_94 = vector.broadcast %arg0 : i32 to vector<16xi32>
      %add3A_95 = arith.addi %mul3A_93, %add3A_94 : vector<16xi32>
      %swap3A_96 = arith.index_cast %scan3A_60 : i32 to index
      %swap3A_97 = arith.constant 32 : index
      %swap3A_98 = tpu.vector_load %arg6[%swap3A_96, %swap3A_97] {strides = array<i32>} : memref<157x128xi32, #tpu.memory_space<vmem>>, vector<1x16xi32>,
      %swap3A_99 = vector.shape_cast %swap3A_98 : vector<1x16xi32> to vector<16xi32>
      %swap3A_100 = vector.shape_cast %add3A_95 : vector<16xi32> to vector<1x16xi32>
      tpu.vector_store %arg6[%swap3A_96, %swap3A_97], %swap3A_100 {strides = array<i32>} : memref<157x128xi32, #tpu.memory_space<vmem>>, vector<1x16xi32>,
      %get3A_101 = arith.index_cast %scan3A_60 : i32 to index
      %get3A_102 = arith.constant 48 : index
      %get3A_103 = tpu.vector_load %arg6[%get3A_101, %get3A_102] {strides = array<i32>} : memref<157x128xi32, #tpu.memory_space<vmem>>, vector<1x16xi32>,
      %get3A_104 = vector.shape_cast %get3A_103 : vector<1x16xi32> to vector<16xi32>
      %mul3A_105 = arith.constant 2 : i32
      %mul3A_106 = vector.broadcast %mul3A_105 : i32 to vector<16xi32>
      %mul3A_107 = arith.muli %get3A_104, %mul3A_106 : vector<16xi32>
      %add3A_108 = vector.broadcast %arg0 : i32 to vector<16xi32>
      %add3A_109 = arith.addi %mul3A_107, %add3A_108 : vector<16xi32>
      %swap3A_110 = arith.index_cast %scan3A_60 : i32 to index
      %swap3A_111 = arith.constant 48 : index
      %swap3A_112 = tpu.vector_load %arg6[%swap3A_110, %swap3A_111] {strides = array<i32>} : memref<157x128xi32, #tpu.memory_space<vmem>>, vector<1x16xi32>,
      %swap3A_113 = vector.shape_cast %swap3A_112 : vector<1x16xi32> to vector<16xi32>
      %swap3A_114 = vector.shape_cast %add3A_109 : vector<16xi32> to vector<1x16xi32>
      tpu.vector_store %arg6[%swap3A_110, %swap3A_111], %swap3A_114 {strides = array<i32>} : memref<157x128xi32, #tpu.memory_space<vmem>>, vector<1x16xi32>,
      %get3A_115 = arith.index_cast %scan3A_60 : i32 to index
      %get3A_116 = arith.constant 64 : index
      %get3A_117 = tpu.vector_load %arg6[%get3A_115, %get3A_116] {strides = array<i32>} : memref<157x128xi32, #tpu.memory_space<vmem>>, vector<1x16xi32>,
      %get3A_118 = vector.shape_cast %get3A_117 : vector<1x16xi32> to vector<16xi32>
      %mul3A_119 = arith.constant 2 : i32
      %mul3A_120 = vector.broadcast %mul3A_119 : i32 to vector<16xi32>
      %mul3A_121 = arith.muli %get3A_118, %mul3A_120 : vector<16xi32>
      %add3A_122 = vector.broadcast %arg0 : i32 to vector<16xi32>
      %add3A_123 = arith.addi %mul3A_121, %add3A_122 : vector<16xi32>
      %swap3A_124 = arith.index_cast %scan3A_60 : i32 to index
      %swap3A_125 = arith.constant 64 : index
      %swap3A_126 = tpu.vector_load %arg6[%swap3A_124, %swap3A_125] {strides = array<i32>} : memref<157x128xi32, #tpu.memory_space<vmem>>, vector<1x16xi32>,
      %swap3A_127 = vector.shape_cast %swap3A_126 : vector<1x16xi32> to vector<16xi32>
      %swap3A_128 = vector.shape_cast %add3A_123 : vector<16xi32> to vector<1x16xi32>
      tpu.vector_store %arg6[%swap3A_124, %swap3A_125], %swap3A_128 {strides = array<i32>} : memref<157x128xi32, #tpu.memory_space<vmem>>, vector<1x16xi32>,
      %get3A_129 = arith.index_cast %scan3A_60 : i32 to index
      %get3A_130 = arith.constant 80 : index
      %get3A_131 = tpu.vector_load %arg6[%get3A_129, %get3A_130] {strides = array<i32>} : memref<157x128xi32, #tpu.memory_space<vmem>>, vector<1x16xi32>,
      %get3A_132 = vector.shape_cast %get3A_131 : vector<1x16xi32> to vector<16xi32>
      %mul3A_133 = arith.constant 2 : i32
      %mul3A_134 = vector.broadcast %mul3A_133 : i32 to vector<16xi32>
      %mul3A_135 = arith.muli %get3A_132, %mul3A_134 : vector<16xi32>
      %add3A_136 = vector.broadcast %arg0 : i32 to vector<16xi32>
      %add3A_137 = arith.addi %mul3A_135, %add3A_136 : vector<16xi32>
      %swap3A_138 = arith.index_cast %scan3A_60 : i32 to index
      %swap3A_139 = arith.constant 80 : index
      %swap3A_140 = tpu.vector_load %arg6[%swap3A_138, %swap3A_139] {strides = array<i32>} : memref<157x128xi32, #tpu.memory_space<vmem>>, vector<1x16xi32>,
      %swap3A_141 = vector.shape_cast %swap3A_140 : vector<1x16xi32> to vector<16xi32>
      %swap3A_142 = vector.shape_cast %add3A_137 : vector<16xi32> to vector<1x16xi32>
      tpu.vector_store %arg6[%swap3A_138, %swap3A_139], %swap3A_142 {strides = array<i32>} : memref<157x128xi32, #tpu.memory_space<vmem>>, vector<1x16xi32>,
      %get3A_143 = arith.index_cast %scan3A_60 : i32 to index
      %get3A_144 = arith.constant 96 : index
      %get3A_145 = tpu.vector_load %arg6[%get3A_143, %get3A_144] {strides = array<i32>} : memref<157x128xi32, #tpu.memory_space<vmem>>, vector<1x16xi32>,
      %get3A_146 = vector.shape_cast %get3A_145 : vector<1x16xi32> to vector<16xi32>
      %mul3A_147 = arith.constant 2 : i32
      %mul3A_148 = vector.broadcast %mul3A_147 : i32 to vector<16xi32>
      %mul3A_149 = arith.muli %get3A_146, %mul3A_148 : vector<16xi32>
      %add3A_150 = vector.broadcast %arg0 : i32 to vector<16xi32>
      %add3A_151 = arith.addi %mul3A_149, %add3A_150 : vector<16xi32>
      %swap3A_152 = arith.index_cast %scan3A_60 : i32 to index
      %swap3A_153 = arith.constant 96 : index
      %swap3A_154 = tpu.vector_load %arg6[%swap3A_152, %swap3A_153] {strides = array<i32>} : memref<157x128xi32, #tpu.memory_space<vmem>>, vector<1x16xi32>,
      %swap3A_155 = vector.shape_cast %swap3A_154 : vector<1x16xi32> to vector<16xi32>
      %swap3A_156 = vector.shape_cast %add3A_151 : vector<16xi32> to vector<1x16xi32>
      tpu.vector_store %arg6[%swap3A_152, %swap3A_153], %swap3A_156 {strides = array<i32>} : memref<157x128xi32, #tpu.memory_space<vmem>>, vector<1x16xi32>,
      %get3A_157 = arith.index_cast %scan3A_60 : i32 to index
      %get3A_158 = arith.constant 112 : index
      %get3A_159 = tpu.vector_load %arg6[%get3A_157, %get3A_158] {strides = array<i32>} : memref<157x128xi32, #tpu.memory_space<vmem>>, vector<1x16xi32>,
      %get3A_160 = vector.shape_cast %get3A_159 : vector<1x16xi32> to vector<16xi32>
      %mul3A_161 = arith.constant 2 : i32
      %mul3A_162 = vector.broadcast %mul3A_161 : i32 to vector<16xi32>
      %mul3A_163 = arith.muli %get3A_160, %mul3A_162 : vector<16xi32>
      %add3A_164 = vector.broadcast %arg0 : i32 to vector<16xi32>
      %add3A_165 = arith.addi %mul3A_163, %add3A_164 : vector<16xi32>
      %swap3A_166 = arith.index_cast %scan3A_60 : i32 to index
      %swap3A_167 = arith.constant 112 : index
      %swap3A_168 = tpu.vector_load %arg6[%swap3A_166, %swap3A_167] {strides = array<i32>} : memref<157x128xi32, #tpu.memory_space<vmem>>, vector<1x16xi32>,
      %swap3A_169 = vector.shape_cast %swap3A_168 : vector<1x16xi32> to vector<16xi32>
      %swap3A_170 = vector.shape_cast %add3A_165 : vector<16xi32> to vector<1x16xi32>
      tpu.vector_store %arg6[%swap3A_166, %swap3A_167], %swap3A_170 {strides = array<i32>} : memref<157x128xi32, #tpu.memory_space<vmem>>, vector<1x16xi32>,
    }
    %scan3A_4 = arith.constant 157 : i32
    %scan3A_5 = arith.constant 0 : i32
    %scan3A_6 = arith.constant 0 : i32
    %scan3A_7 = arith.constant 128 : i32
    %scan3A_8 = arith.addi %scan3A_6, %scan3A_7 : i32
    %scan3A_9 = arith.constant 1 : i32
    scf.for %scan3A_60 = %scan3A_6 to %scan3A_8 step %scan3A_9  : i32 {
      %broadcast_in_dim3A = arith.constant 0.000000e+00 : f32
      %broadcast_in_dim3A_61 = vector.broadcast %broadcast_in_dim3A : f32 to vector<16xf32>
      %swap3A = arith.index_cast %scan3A_60 : i32 to index
      %swap3A_62 = arith.constant 0 : index
      %swap3A_63 = tpu.vector_load %arg8[%swap3A, %swap3A_62] {strides = array<i32>} : memref<128x64xf32, #tpu.memory_space<vmem>>, vector<1x16xf32>,
      %swap3A_64 = vector.shape_cast %swap3A_63 : vector<1x16xf32> to vector<16xf32>
      %swap3A_65 = vector.shape_cast %broadcast_in_dim3A_61 : vector<16xf32> to vector<1x16xf32>
      tpu.vector_store %arg8[%swap3A, %swap3A_62], %swap3A_65 {strides = array<i32>} : memref<128x64xf32, #tpu.memory_space<vmem>>, vector<1x16xf32>,
      %broadcast_in_dim3A_66 = arith.constant 0.000000e+00 : f32
      %broadcast_in_dim3A_67 = vector.broadcast %broadcast_in_dim3A_66 : f32 to vector<16xf32>
      %swap3A_68 = arith.index_cast %scan3A_60 : i32 to index
      %swap3A_69 = arith.constant 16 : index
      %swap3A_70 = tpu.vector_load %arg8[%swap3A_68, %swap3A_69] {strides = array<i32>} : memref<128x64xf32, #tpu.memory_space<vmem>>, vector<1x16xf32>,
      %swap3A_71 = vector.shape_cast %swap3A_70 : vector<1x16xf32> to vector<16xf32>
      %swap3A_72 = vector.shape_cast %broadcast_in_dim3A_67 : vector<16xf32> to vector<1x16xf32>
      tpu.vector_store %arg8[%swap3A_68, %swap3A_69], %swap3A_72 {strides = array<i32>} : memref<128x64xf32, #tpu.memory_space<vmem>>, vector<1x16xf32>,
      %broadcast_in_dim3A_73 = arith.constant 0.000000e+00 : f32
      %broadcast_in_dim3A_74 = vector.broadcast %broadcast_in_dim3A_73 : f32 to vector<16xf32>
      %swap3A_75 = arith.index_cast %scan3A_60 : i32 to index
      %swap3A_76 = arith.constant 32 : index
      %swap3A_77 = tpu.vector_load %arg8[%swap3A_75, %swap3A_76] {strides = array<i32>} : memref<128x64xf32, #tpu.memory_space<vmem>>, vector<1x16xf32>,
      %swap3A_78 = vector.shape_cast %swap3A_77 : vector<1x16xf32> to vector<16xf32>
      %swap3A_79 = vector.shape_cast %broadcast_in_dim3A_74 : vector<16xf32> to vector<1x16xf32>
      tpu.vector_store %arg8[%swap3A_75, %swap3A_76], %swap3A_79 {strides = array<i32>} : memref<128x64xf32, #tpu.memory_space<vmem>>, vector<1x16xf32>,
      %broadcast_in_dim3A_80 = arith.constant 0.000000e+00 : f32
      %broadcast_in_dim3A_81 = vector.broadcast %broadcast_in_dim3A_80 : f32 to vector<16xf32>
      %swap3A_82 = arith.index_cast %scan3A_60 : i32 to index
      %swap3A_83 = arith.constant 48 : index
      %swap3A_84 = tpu.vector_load %arg8[%swap3A_82, %swap3A_83] {strides = array<i32>} : memref<128x64xf32, #tpu.memory_space<vmem>>, vector<1x16xf32>,
      %swap3A_85 = vector.shape_cast %swap3A_84 : vector<1x16xf32> to vector<16xf32>
      %swap3A_86 = vector.shape_cast %broadcast_in_dim3A_81 : vector<16xf32> to vector<1x16xf32>
      tpu.vector_store %arg8[%swap3A_82, %swap3A_83], %swap3A_86 {strides = array<i32>} : memref<128x64xf32, #tpu.memory_space<vmem>>, vector<1x16xf32>,
    }
    %scan3A_10 = arith.constant 128 : i32
    %mul3A = arith.constant 640 : i32
    %mul3A_11 = arith.muli %arg1, %mul3A : i32
    %add3A = arith.constant 0 : i32
    %add3A_12 = arith.addi %mul3A_11, %add3A : i32
    "tpu.region"() ({
      %run_scoped3A = tpu.sem_alloc : memref<!tpu.dma_semaphore, #tpu.memory_space<semaphore_mem>>
      %dma_start3A_60 = arith.constant 0 : i32
      %dma_start3A_61 = tpu.memref_slice %arg12[%add3A_12, %dma_start3A_60] : memref<10240x64xf32, #tpu.memory_space<vmem_shared>> -> memref<128x64xf32, #tpu.memory_space<vmem_shared>>
      %dma_start3A_62 = arith.constant 0 : i32
      %dma_start3A_63 = tpu.memref_slice %arg12[%add3A_12, %dma_start3A_62] : memref<10240x64xf32, #tpu.memory_space<vmem_shared>> -> memref<128x64xf32, #tpu.memory_space<vmem_shared>>
      tpu.enqueue_dma source(%arg8 : memref<128x64xf32, #tpu.memory_space<vmem>>) target(%dma_start3A_63 : memref<128x64xf32, #tpu.memory_space<vmem_shared>>) target_semaphore(%run_scoped3A : memref<!tpu.dma_semaphore, #tpu.memory_space<semaphore_mem>>)
      %dma_wait3A = arith.constant 0 : i32
      %dma_wait3A_64 = tpu.memref_slice %arg12[%add3A_12, %dma_wait3A] : memref<10240x64xf32, #tpu.memory_space<vmem_shared>> -> memref<128x64xf32, #tpu.memory_space<vmem_shared>>
      %dma_wait3A_65 = arith.constant 0 : i32
      %dma_wait3A_66 = tpu.memref_slice %arg12[%add3A_12, %dma_wait3A_65] : memref<10240x64xf32, #tpu.memory_space<vmem_shared>> -> memref<128x64xf32, #tpu.memory_space<vmem_shared>>
      tpu.wait_dma2 semaphore(%run_scoped3A : memref<!tpu.dma_semaphore, #tpu.memory_space<semaphore_mem>>) src(%arg8 : memref<128x64xf32, #tpu.memory_space<vmem>>) dst(%dma_wait3A_66 : memref<128x64xf32, #tpu.memory_space<vmem_shared>>)
      tpu.yield
    }) : () -> ()
    %mul3A_13 = arith.constant 640 : i32
    %mul3A_14 = arith.muli %arg1, %mul3A_13 : i32
    %add3A_15 = arith.constant 128 : i32
    %add3A_16 = arith.addi %mul3A_14, %add3A_15 : i32
    "tpu.region"() ({
      %run_scoped3A = tpu.sem_alloc : memref<!tpu.dma_semaphore, #tpu.memory_space<semaphore_mem>>
      %dma_start3A_60 = arith.constant 0 : i32
      %dma_start3A_61 = tpu.memref_slice %arg12[%add3A_16, %dma_start3A_60] : memref<10240x64xf32, #tpu.memory_space<vmem_shared>> -> memref<128x64xf32, #tpu.memory_space<vmem_shared>>
      %dma_start3A_62 = arith.constant 0 : i32
      %dma_start3A_63 = tpu.memref_slice %arg12[%add3A_16, %dma_start3A_62] : memref<10240x64xf32, #tpu.memory_space<vmem_shared>> -> memref<128x64xf32, #tpu.memory_space<vmem_shared>>
      tpu.enqueue_dma source(%arg8 : memref<128x64xf32, #tpu.memory_space<vmem>>) target(%dma_start3A_63 : memref<128x64xf32, #tpu.memory_space<vmem_shared>>) target_semaphore(%run_scoped3A : memref<!tpu.dma_semaphore, #tpu.memory_space<semaphore_mem>>)
      %dma_wait3A = arith.constant 0 : i32
      %dma_wait3A_64 = tpu.memref_slice %arg12[%add3A_16, %dma_wait3A] : memref<10240x64xf32, #tpu.memory_space<vmem_shared>> -> memref<128x64xf32, #tpu.memory_space<vmem_shared>>
      %dma_wait3A_65 = arith.constant 0 : i32
      %dma_wait3A_66 = tpu.memref_slice %arg12[%add3A_16, %dma_wait3A_65] : memref<10240x64xf32, #tpu.memory_space<vmem_shared>> -> memref<128x64xf32, #tpu.memory_space<vmem_shared>>
      tpu.wait_dma2 semaphore(%run_scoped3A : memref<!tpu.dma_semaphore, #tpu.memory_space<semaphore_mem>>) src(%arg8 : memref<128x64xf32, #tpu.memory_space<vmem>>) dst(%dma_wait3A_66 : memref<128x64xf32, #tpu.memory_space<vmem_shared>>)
      tpu.yield
    }) : () -> ()
    %mul3A_17 = arith.constant 640 : i32
    %mul3A_18 = arith.muli %arg1, %mul3A_17 : i32
    %add3A_19 = arith.constant 256 : i32
    %add3A_20 = arith.addi %mul3A_18, %add3A_19 : i32
    "tpu.region"() ({
      %run_scoped3A = tpu.sem_alloc : memref<!tpu.dma_semaphore, #tpu.memory_space<semaphore_mem>>
      %dma_start3A_60 = arith.constant 0 : i32
      %dma_start3A_61 = tpu.memref_slice %arg12[%add3A_20, %dma_start3A_60] : memref<10240x64xf32, #tpu.memory_space<vmem_shared>> -> memref<128x64xf32, #tpu.memory_space<vmem_shared>>
      %dma_start3A_62 = arith.constant 0 : i32
      %dma_start3A_63 = tpu.memref_slice %arg12[%add3A_20, %dma_start3A_62] : memref<10240x64xf32, #tpu.memory_space<vmem_shared>> -> memref<128x64xf32, #tpu.memory_space<vmem_shared>>
      tpu.enqueue_dma source(%arg8 : memref<128x64xf32, #tpu.memory_space<vmem>>) target(%dma_start3A_63 : memref<128x64xf32, #tpu.memory_space<vmem_shared>>) target_semaphore(%run_scoped3A : memref<!tpu.dma_semaphore, #tpu.memory_space<semaphore_mem>>)
      %dma_wait3A = arith.constant 0 : i32
      %dma_wait3A_64 = tpu.memref_slice %arg12[%add3A_20, %dma_wait3A] : memref<10240x64xf32, #tpu.memory_space<vmem_shared>> -> memref<128x64xf32, #tpu.memory_space<vmem_shared>>
      %dma_wait3A_65 = arith.constant 0 : i32
      %dma_wait3A_66 = tpu.memref_slice %arg12[%add3A_20, %dma_wait3A_65] : memref<10240x64xf32, #tpu.memory_space<vmem_shared>> -> memref<128x64xf32, #tpu.memory_space<vmem_shared>>
      tpu.wait_dma2 semaphore(%run_scoped3A : memref<!tpu.dma_semaphore, #tpu.memory_space<semaphore_mem>>) src(%arg8 : memref<128x64xf32, #tpu.memory_space<vmem>>) dst(%dma_wait3A_66 : memref<128x64xf32, #tpu.memory_space<vmem_shared>>)
      tpu.yield
    }) : () -> ()
    %mul3A_21 = arith.constant 640 : i32
    %mul3A_22 = arith.muli %arg1, %mul3A_21 : i32
    %add3A_23 = arith.constant 384 : i32
    %add3A_24 = arith.addi %mul3A_22, %add3A_23 : i32
    "tpu.region"() ({
      %run_scoped3A = tpu.sem_alloc : memref<!tpu.dma_semaphore, #tpu.memory_space<semaphore_mem>>
      %dma_start3A_60 = arith.constant 0 : i32
      %dma_start3A_61 = tpu.memref_slice %arg12[%add3A_24, %dma_start3A_60] : memref<10240x64xf32, #tpu.memory_space<vmem_shared>> -> memref<128x64xf32, #tpu.memory_space<vmem_shared>>
      %dma_start3A_62 = arith.constant 0 : i32
      %dma_start3A_63 = tpu.memref_slice %arg12[%add3A_24, %dma_start3A_62] : memref<10240x64xf32, #tpu.memory_space<vmem_shared>> -> memref<128x64xf32, #tpu.memory_space<vmem_shared>>
      tpu.enqueue_dma source(%arg8 : memref<128x64xf32, #tpu.memory_space<vmem>>) target(%dma_start3A_63 : memref<128x64xf32, #tpu.memory_space<vmem_shared>>) target_semaphore(%run_scoped3A : memref<!tpu.dma_semaphore, #tpu.memory_space<semaphore_mem>>)
      %dma_wait3A = arith.constant 0 : i32
      %dma_wait3A_64 = tpu.memref_slice %arg12[%add3A_24, %dma_wait3A] : memref<10240x64xf32, #tpu.memory_space<vmem_shared>> -> memref<128x64xf32, #tpu.memory_space<vmem_shared>>
      %dma_wait3A_65 = arith.constant 0 : i32
      %dma_wait3A_66 = tpu.memref_slice %arg12[%add3A_24, %dma_wait3A_65] : memref<10240x64xf32, #tpu.memory_space<vmem_shared>> -> memref<128x64xf32, #tpu.memory_space<vmem_shared>>
      tpu.wait_dma2 semaphore(%run_scoped3A : memref<!tpu.dma_semaphore, #tpu.memory_space<semaphore_mem>>) src(%arg8 : memref<128x64xf32, #tpu.memory_space<vmem>>) dst(%dma_wait3A_66 : memref<128x64xf32, #tpu.memory_space<vmem_shared>>)
      tpu.yield
    }) : () -> ()
    %mul3A_25 = arith.constant 640 : i32
    %mul3A_26 = arith.muli %arg1, %mul3A_25 : i32
    %add3A_27 = arith.constant 512 : i32
    %add3A_28 = arith.addi %mul3A_26, %add3A_27 : i32
    "tpu.region"() ({
      %run_scoped3A = tpu.sem_alloc : memref<!tpu.dma_semaphore, #tpu.memory_space<semaphore_mem>>
      %dma_start3A_60 = arith.constant 0 : i32
      %dma_start3A_61 = tpu.memref_slice %arg12[%add3A_28, %dma_start3A_60] : memref<10240x64xf32, #tpu.memory_space<vmem_shared>> -> memref<128x64xf32, #tpu.memory_space<vmem_shared>>
      %dma_start3A_62 = arith.constant 0 : i32
      %dma_start3A_63 = tpu.memref_slice %arg12[%add3A_28, %dma_start3A_62] : memref<10240x64xf32, #tpu.memory_space<vmem_shared>> -> memref<128x64xf32, #tpu.memory_space<vmem_shared>>
      tpu.enqueue_dma source(%arg8 : memref<128x64xf32, #tpu.memory_space<vmem>>) target(%dma_start3A_63 : memref<128x64xf32, #tpu.memory_space<vmem_shared>>) target_semaphore(%run_scoped3A : memref<!tpu.dma_semaphore, #tpu.memory_space<semaphore_mem>>)
      %dma_wait3A = arith.constant 0 : i32
      %dma_wait3A_64 = tpu.memref_slice %arg12[%add3A_28, %dma_wait3A] : memref<10240x64xf32, #tpu.memory_space<vmem_shared>> -> memref<128x64xf32, #tpu.memory_space<vmem_shared>>
      %dma_wait3A_65 = arith.constant 0 : i32
      %dma_wait3A_66 = tpu.memref_slice %arg12[%add3A_28, %dma_wait3A_65] : memref<10240x64xf32, #tpu.memory_space<vmem_shared>> -> memref<128x64xf32, #tpu.memory_space<vmem_shared>>
      tpu.wait_dma2 semaphore(%run_scoped3A : memref<!tpu.dma_semaphore, #tpu.memory_space<semaphore_mem>>) src(%arg8 : memref<128x64xf32, #tpu.memory_space<vmem>>) dst(%dma_wait3A_66 : memref<128x64xf32, #tpu.memory_space<vmem_shared>>)
      tpu.yield
    }) : () -> ()
    %dma_start3A = arith.constant 0 : i32
    %dma_start3A_29 = arith.constant 0 : i32
    %dma_start3A_30 = tpu.memref_slice %arg6[%dma_start3A, %dma_start3A_29] : memref<157x128xi32, #tpu.memory_space<vmem>> -> memref<1x128xi32, #tpu.memory_space<vmem>>
    %dma_start3A_31 = tpu.memref_squeeze %dma_start3A_30 : memref<1x128xi32, #tpu.memory_space<vmem>> -> memref<128xi32, #tpu.memory_space<vmem>>
    %dma_start3A_32 = arith.constant 0 : i32
    %dma_start3A_33 = arith.constant 0 : i32
    %dma_start3A_34 = tpu.memref_slice %arg2[%dma_start3A_32, %dma_start3A_33] : memref<20480x64xf32, #tpu.memory_space<hbm>> -> memref<20480x64xf32, #tpu.memory_space<hbm>>
    tpu.enqueue_indirect_dma source(%dma_start3A_34 : memref<20480x64xf32, #tpu.memory_space<hbm>>) target(%arg8 : memref<128x64xf32, #tpu.memory_space<vmem>>) offsets(%dma_start3A_31 : memref<128xi32, #tpu.memory_space<vmem>>) semaphore(%arg13 : memref<!tpu.dma_semaphore, #tpu.memory_space<semaphore_mem>>)
    %dma_start3A_35 = arith.constant 1 : i32
    %dma_start3A_36 = arith.constant 0 : i32
    %dma_start3A_37 = tpu.memref_slice %arg6[%dma_start3A_35, %dma_start3A_36] : memref<157x128xi32, #tpu.memory_space<vmem>> -> memref<1x128xi32, #tpu.memory_space<vmem>>
    %dma_start3A_38 = tpu.memref_squeeze %dma_start3A_37 : memref<1x128xi32, #tpu.memory_space<vmem>> -> memref<128xi32, #tpu.memory_space<vmem>>
    %dma_start3A_39 = arith.constant 0 : i32
    %dma_start3A_40 = arith.constant 0 : i32
    %dma_start3A_41 = tpu.memref_slice %arg2[%dma_start3A_39, %dma_start3A_40] : memref<20480x64xf32, #tpu.memory_space<hbm>> -> memref<20480x64xf32, #tpu.memory_space<hbm>>
    tpu.enqueue_indirect_dma source(%dma_start3A_41 : memref<20480x64xf32, #tpu.memory_space<hbm>>) target(%arg9 : memref<128x64xf32, #tpu.memory_space<vmem>>) offsets(%dma_start3A_38 : memref<128xi32, #tpu.memory_space<vmem>>) semaphore(%arg14 : memref<!tpu.dma_semaphore, #tpu.memory_space<semaphore_mem>>)
    %dma_start3A_42 = arith.constant 2 : i32
    %dma_start3A_43 = arith.constant 0 : i32
    %dma_start3A_44 = tpu.memref_slice %arg6[%dma_start3A_42, %dma_start3A_43] : memref<157x128xi32, #tpu.memory_space<vmem>> -> memref<1x128xi32, #tpu.memory_space<vmem>>
    %dma_start3A_45 = tpu.memref_squeeze %dma_start3A_44 : memref<1x128xi32, #tpu.memory_space<vmem>> -> memref<128xi32, #tpu.memory_space<vmem>>
    %dma_start3A_46 = arith.constant 0 : i32
    %dma_start3A_47 = arith.constant 0 : i32
    %dma_start3A_48 = tpu.memref_slice %arg2[%dma_start3A_46, %dma_start3A_47] : memref<20480x64xf32, #tpu.memory_space<hbm>> -> memref<20480x64xf32, #tpu.memory_space<hbm>>
    tpu.enqueue_indirect_dma source(%dma_start3A_48 : memref<20480x64xf32, #tpu.memory_space<hbm>>) target(%arg10 : memref<128x64xf32, #tpu.memory_space<vmem>>) offsets(%dma_start3A_45 : memref<128xi32, #tpu.memory_space<vmem>>) semaphore(%arg15 : memref<!tpu.dma_semaphore, #tpu.memory_space<semaphore_mem>>)
    %barrier3A = arith.constant 0 : index
    tpu.barrier barrier_id(%barrier3A)
    %scan3A_49 = arith.constant 0 : i32
    %scan3A_50 = arith.constant 0 : i32
    %scan3A_51 = arith.constant 157 : i32
    %scan3A_52 = arith.addi %scan3A_50, %scan3A_51 : i32
    %scan3A_53 = arith.constant 1 : i32
    scf.for %scan3A_60 = %scan3A_50 to %scan3A_52 step %scan3A_53  : i32 {
      %rem3A = arith.constant 4 : i32
      %rem3A_61 = arith.remsi %scan3A_60, %rem3A : i32
      %eq3A = arith.constant 0 : i32
      %eq3A_62 = arith.cmpi eq, %rem3A_61, %eq3A : i32
      %convert_element_type3A = arith.extui %eq3A_62 : i1 to i32
      %cond3A = arith.constant 0 : i32
      %cond3A_63 = arith.cmpi ne, %convert_element_type3A, %cond3A : i32
      scf.if %cond3A_63 {
        %dma_wait3A = arith.constant 0 : i32
        %dma_wait3A_85 = tpu.memref_slice %arg6[%scan3A_60, %dma_wait3A] : memref<157x128xi32, #tpu.memory_space<vmem>> -> memref<1x128xi32, #tpu.memory_space<vmem>>
        %dma_wait3A_86 = tpu.memref_squeeze %dma_wait3A_85 : memref<1x128xi32, #tpu.memory_space<vmem>> -> memref<128xi32, #tpu.memory_space<vmem>>
        %dma_wait3A_87 = arith.constant 0 : i32
        %dma_wait3A_88 = arith.constant 0 : i32
        %dma_wait3A_89 = tpu.memref_slice %arg2[%dma_wait3A_87, %dma_wait3A_88] : memref<20480x64xf32, #tpu.memory_space<hbm>> -> memref<20480x64xf32, #tpu.memory_space<hbm>>
        tpu.wait_indirect_dma semaphore(%arg13 : memref<!tpu.dma_semaphore, #tpu.memory_space<semaphore_mem>>) src(%dma_wait3A_89 : memref<20480x64xf32, #tpu.memory_space<hbm>>) dst(%arg8 : memref<128x64xf32, #tpu.memory_space<vmem>>)
        %add3A_90 = arith.constant 4 : i32
        %add3A_91 = arith.addi %scan3A_60, %add3A_90 : i32
        %sub3A = arith.constant 1 : i32
        %sub3A_92 = arith.subi %add3A_91, %sub3A : i32
        %lt3A = arith.constant 157 : i32
        %lt3A_93 = arith.cmpi slt, %sub3A_92, %lt3A : i32
        %convert_element_type3A_94 = arith.extui %lt3A_93 : i1 to i32
        %cond3A_95 = arith.constant 0 : i32
        %cond3A_96 = arith.cmpi ne, %convert_element_type3A_94, %cond3A_95 : i32
        scf.if %cond3A_96 {
          %dma_start3A_97 = arith.constant 0 : i32
          %dma_start3A_98 = tpu.memref_slice %arg6[%sub3A_92, %dma_start3A_97] : memref<157x128xi32, #tpu.memory_space<vmem>> -> memref<1x128xi32, #tpu.memory_space<vmem>>
          %dma_start3A_99 = tpu.memref_squeeze %dma_start3A_98 : memref<1x128xi32, #tpu.memory_space<vmem>> -> memref<128xi32, #tpu.memory_space<vmem>>
          %dma_start3A_100 = arith.constant 0 : i32
          %dma_start3A_101 = arith.constant 0 : i32
          %dma_start3A_102 = tpu.memref_slice %arg2[%dma_start3A_100, %dma_start3A_101] : memref<20480x64xf32, #tpu.memory_space<hbm>> -> memref<20480x64xf32, #tpu.memory_space<hbm>>
          tpu.enqueue_indirect_dma source(%dma_start3A_102 : memref<20480x64xf32, #tpu.memory_space<hbm>>) target(%arg11 : memref<128x64xf32, #tpu.memory_space<vmem>>) offsets(%dma_start3A_99 : memref<128xi32, #tpu.memory_space<vmem>>) semaphore(%arg16 : memref<!tpu.dma_semaphore, #tpu.memory_space<semaphore_mem>>)
        } else {
        }
        "tpu.region"() ({
          %run_scoped3A = tpu.sem_alloc : memref<!tpu.dma_semaphore, #tpu.memory_space<semaphore_mem>>
          %dma_start3A_97 = arith.constant 0 : i32
          %dma_start3A_98 = tpu.memref_slice %arg7[%scan3A_60, %dma_start3A_97] : memref<157x128xi32, #tpu.memory_space<vmem>> -> memref<1x128xi32, #tpu.memory_space<vmem>>
          %dma_start3A_99 = tpu.memref_squeeze %dma_start3A_98 : memref<1x128xi32, #tpu.memory_space<vmem>> -> memref<128xi32, #tpu.memory_space<vmem>>
          %dma_start3A_100 = arith.constant 0 : i32
          %dma_start3A_101 = arith.constant 0 : i32
          %dma_start3A_102 = tpu.memref_slice %arg12[%dma_start3A_100, %dma_start3A_101] : memref<10240x64xf32, #tpu.memory_space<vmem_shared>> -> memref<10240x64xf32, #tpu.memory_space<vmem_shared>>
          tpu.enqueue_indirect_dma source(%arg8 : memref<128x64xf32, #tpu.memory_space<vmem>>) target(%dma_start3A_102 : memref<10240x64xf32, #tpu.memory_space<vmem_shared>>) offsets(%dma_start3A_99 : memref<128xi32, #tpu.memory_space<vmem>>) semaphore(%run_scoped3A : memref<!tpu.dma_semaphore, #tpu.memory_space<semaphore_mem>>) {add = true}
          %dma_wait3A_103 = arith.constant 0 : i32
          %dma_wait3A_104 = tpu.memref_slice %arg7[%scan3A_60, %dma_wait3A_103] : memref<157x128xi32, #tpu.memory_space<vmem>> -> memref<1x128xi32, #tpu.memory_space<vmem>>
          %dma_wait3A_105 = tpu.memref_squeeze %dma_wait3A_104 : memref<1x128xi32, #tpu.memory_space<vmem>> -> memref<128xi32, #tpu.memory_space<vmem>>
          %dma_wait3A_106 = arith.constant 0 : i32
          %dma_wait3A_107 = arith.constant 0 : i32
          %dma_wait3A_108 = tpu.memref_slice %arg12[%dma_wait3A_106, %dma_wait3A_107] : memref<10240x64xf32, #tpu.memory_space<vmem_shared>> -> memref<10240x64xf32, #tpu.memory_space<vmem_shared>>
          tpu.wait_indirect_dma semaphore(%run_scoped3A : memref<!tpu.dma_semaphore, #tpu.memory_space<semaphore_mem>>) src(%arg8 : memref<128x64xf32, #tpu.memory_space<vmem>>) dst(%dma_wait3A_108 : memref<10240x64xf32, #tpu.memory_space<vmem_shared>>)
          tpu.yield
        }) : () -> ()
      } else {
      }
      %rem3A_64 = arith.constant 4 : i32
      %rem3A_65 = arith.remsi %scan3A_60, %rem3A_64 : i32
      %eq3A_66 = arith.constant 1 : i32
      %eq3A_67 = arith.cmpi eq, %rem3A_65, %eq3A_66 : i32
      %convert_element_type3A_68 = arith.extui %eq3A_67 : i1 to i32
      %cond3A_69 = arith.constant 0 : i32
      %cond3A_70 = arith.cmpi ne, %convert_element_type3A_68, %cond3A_69 : i32
      scf.if %cond3A_70 {
        %dma_wait3A = arith.constant 0 : i32
        %dma_wait3A_85 = tpu.memref_slice %arg6[%scan3A_60, %dma_wait3A] : memref<157x128xi32, #tpu.memory_space<vmem>> -> memref<1x128xi32, #tpu.memory_space<vmem>>
        %dma_wait3A_86 = tpu.memref_squeeze %dma_wait3A_85 : memref<1x128xi32, #tpu.memory_space<vmem>> -> memref<128xi32, #tpu.memory_space<vmem>>
        %dma_wait3A_87 = arith.constant 0 : i32
        %dma_wait3A_88 = arith.constant 0 : i32
        %dma_wait3A_89 = tpu.memref_slice %arg2[%dma_wait3A_87, %dma_wait3A_88] : memref<20480x64xf32, #tpu.memory_space<hbm>> -> memref<20480x64xf32, #tpu.memory_space<hbm>>
        tpu.wait_indirect_dma semaphore(%arg14 : memref<!tpu.dma_semaphore, #tpu.memory_space<semaphore_mem>>) src(%dma_wait3A_89 : memref<20480x64xf32, #tpu.memory_space<hbm>>) dst(%arg9 : memref<128x64xf32, #tpu.memory_space<vmem>>)
        %add3A_90 = arith.constant 4 : i32
        %add3A_91 = arith.addi %scan3A_60, %add3A_90 : i32
        %sub3A = arith.constant 1 : i32
        %sub3A_92 = arith.subi %add3A_91, %sub3A : i32
        %lt3A = arith.constant 157 : i32
        %lt3A_93 = arith.cmpi slt, %sub3A_92, %lt3A : i32
        %convert_element_type3A_94 = arith.extui %lt3A_93 : i1 to i32
        %cond3A_95 = arith.constant 0 : i32
        %cond3A_96 = arith.cmpi ne, %convert_element_type3A_94, %cond3A_95 : i32
        scf.if %cond3A_96 {
          %dma_start3A_97 = arith.constant 0 : i32
          %dma_start3A_98 = tpu.memref_slice %arg6[%sub3A_92, %dma_start3A_97] : memref<157x128xi32, #tpu.memory_space<vmem>> -> memref<1x128xi32, #tpu.memory_space<vmem>>
          %dma_start3A_99 = tpu.memref_squeeze %dma_start3A_98 : memref<1x128xi32, #tpu.memory_space<vmem>> -> memref<128xi32, #tpu.memory_space<vmem>>
          %dma_start3A_100 = arith.constant 0 : i32
          %dma_start3A_101 = arith.constant 0 : i32
          %dma_start3A_102 = tpu.memref_slice %arg2[%dma_start3A_100, %dma_start3A_101] : memref<20480x64xf32, #tpu.memory_space<hbm>> -> memref<20480x64xf32, #tpu.memory_space<hbm>>
          tpu.enqueue_indirect_dma source(%dma_start3A_102 : memref<20480x64xf32, #tpu.memory_space<hbm>>) target(%arg8 : memref<128x64xf32, #tpu.memory_space<vmem>>) offsets(%dma_start3A_99 : memref<128xi32, #tpu.memory_space<vmem>>) semaphore(%arg13 : memref<!tpu.dma_semaphore, #tpu.memory_space<semaphore_mem>>)
        } else {
        }
        "tpu.region"() ({
          %run_scoped3A = tpu.sem_alloc : memref<!tpu.dma_semaphore, #tpu.memory_space<semaphore_mem>>
          %dma_start3A_97 = arith.constant 0 : i32
          %dma_start3A_98 = tpu.memref_slice %arg7[%scan3A_60, %dma_start3A_97] : memref<157x128xi32, #tpu.memory_space<vmem>> -> memref<1x128xi32, #tpu.memory_space<vmem>>
          %dma_start3A_99 = tpu.memref_squeeze %dma_start3A_98 : memref<1x128xi32, #tpu.memory_space<vmem>> -> memref<128xi32, #tpu.memory_space<vmem>>
          %dma_start3A_100 = arith.constant 0 : i32
          %dma_start3A_101 = arith.constant 0 : i32
          %dma_start3A_102 = tpu.memref_slice %arg12[%dma_start3A_100, %dma_start3A_101] : memref<10240x64xf32, #tpu.memory_space<vmem_shared>> -> memref<10240x64xf32, #tpu.memory_space<vmem_shared>>
          tpu.enqueue_indirect_dma source(%arg9 : memref<128x64xf32, #tpu.memory_space<vmem>>) target(%dma_start3A_102 : memref<10240x64xf32, #tpu.memory_space<vmem_shared>>) offsets(%dma_start3A_99 : memref<128xi32, #tpu.memory_space<vmem>>) semaphore(%run_scoped3A : memref<!tpu.dma_semaphore, #tpu.memory_space<semaphore_mem>>) {add = true}
          %dma_wait3A_103 = arith.constant 0 : i32
          %dma_wait3A_104 = tpu.memref_slice %arg7[%scan3A_60, %dma_wait3A_103] : memref<157x128xi32, #tpu.memory_space<vmem>> -> memref<1x128xi32, #tpu.memory_space<vmem>>
          %dma_wait3A_105 = tpu.memref_squeeze %dma_wait3A_104 : memref<1x128xi32, #tpu.memory_space<vmem>> -> memref<128xi32, #tpu.memory_space<vmem>>
          %dma_wait3A_106 = arith.constant 0 : i32
          %dma_wait3A_107 = arith.constant 0 : i32
          %dma_wait3A_108 = tpu.memref_slice %arg12[%dma_wait3A_106, %dma_wait3A_107] : memref<10240x64xf32, #tpu.memory_space<vmem_shared>> -> memref<10240x64xf32, #tpu.memory_space<vmem_shared>>
          tpu.wait_indirect_dma semaphore(%run_scoped3A : memref<!tpu.dma_semaphore, #tpu.memory_space<semaphore_mem>>) src(%arg9 : memref<128x64xf32, #tpu.memory_space<vmem>>) dst(%dma_wait3A_108 : memref<10240x64xf32, #tpu.memory_space<vmem_shared>>)
          tpu.yield
        }) : () -> ()
      } else {
      }
      %rem3A_71 = arith.constant 4 : i32
      %rem3A_72 = arith.remsi %scan3A_60, %rem3A_71 : i32
      %eq3A_73 = arith.constant 2 : i32
      %eq3A_74 = arith.cmpi eq, %rem3A_72, %eq3A_73 : i32
      %convert_element_type3A_75 = arith.extui %eq3A_74 : i1 to i32
      %cond3A_76 = arith.constant 0 : i32
      %cond3A_77 = arith.cmpi ne, %convert_element_type3A_75, %cond3A_76 : i32
      scf.if %cond3A_77 {
        %dma_wait3A = arith.constant 0 : i32
        %dma_wait3A_85 = tpu.memref_slice %arg6[%scan3A_60, %dma_wait3A] : memref<157x128xi32, #tpu.memory_space<vmem>> -> memref<1x128xi32, #tpu.memory_space<vmem>>
        %dma_wait3A_86 = tpu.memref_squeeze %dma_wait3A_85 : memref<1x128xi32, #tpu.memory_space<vmem>> -> memref<128xi32, #tpu.memory_space<vmem>>
        %dma_wait3A_87 = arith.constant 0 : i32
        %dma_wait3A_88 = arith.constant 0 : i32
        %dma_wait3A_89 = tpu.memref_slice %arg2[%dma_wait3A_87, %dma_wait3A_88] : memref<20480x64xf32, #tpu.memory_space<hbm>> -> memref<20480x64xf32, #tpu.memory_space<hbm>>
        tpu.wait_indirect_dma semaphore(%arg15 : memref<!tpu.dma_semaphore, #tpu.memory_space<semaphore_mem>>) src(%dma_wait3A_89 : memref<20480x64xf32, #tpu.memory_space<hbm>>) dst(%arg10 : memref<128x64xf32, #tpu.memory_space<vmem>>)
        %add3A_90 = arith.constant 4 : i32
        %add3A_91 = arith.addi %scan3A_60, %add3A_90 : i32
        %sub3A = arith.constant 1 : i32
        %sub3A_92 = arith.subi %add3A_91, %sub3A : i32
        %lt3A = arith.constant 157 : i32
        %lt3A_93 = arith.cmpi slt, %sub3A_92, %lt3A : i32
        %convert_element_type3A_94 = arith.extui %lt3A_93 : i1 to i32
        %cond3A_95 = arith.constant 0 : i32
        %cond3A_96 = arith.cmpi ne, %convert_element_type3A_94, %cond3A_95 : i32
        scf.if %cond3A_96 {
          %dma_start3A_97 = arith.constant 0 : i32
          %dma_start3A_98 = tpu.memref_slice %arg6[%sub3A_92, %dma_start3A_97] : memref<157x128xi32, #tpu.memory_space<vmem>> -> memref<1x128xi32, #tpu.memory_space<vmem>>
          %dma_start3A_99 = tpu.memref_squeeze %dma_start3A_98 : memref<1x128xi32, #tpu.memory_space<vmem>> -> memref<128xi32, #tpu.memory_space<vmem>>
          %dma_start3A_100 = arith.constant 0 : i32
          %dma_start3A_101 = arith.constant 0 : i32
          %dma_start3A_102 = tpu.memref_slice %arg2[%dma_start3A_100, %dma_start3A_101] : memref<20480x64xf32, #tpu.memory_space<hbm>> -> memref<20480x64xf32, #tpu.memory_space<hbm>>
          tpu.enqueue_indirect_dma source(%dma_start3A_102 : memref<20480x64xf32, #tpu.memory_space<hbm>>) target(%arg9 : memref<128x64xf32, #tpu.memory_space<vmem>>) offsets(%dma_start3A_99 : memref<128xi32, #tpu.memory_space<vmem>>) semaphore(%arg14 : memref<!tpu.dma_semaphore, #tpu.memory_space<semaphore_mem>>)
        } else {
        }
        "tpu.region"() ({
          %run_scoped3A = tpu.sem_alloc : memref<!tpu.dma_semaphore, #tpu.memory_space<semaphore_mem>>
          %dma_start3A_97 = arith.constant 0 : i32
          %dma_start3A_98 = tpu.memref_slice %arg7[%scan3A_60, %dma_start3A_97] : memref<157x128xi32, #tpu.memory_space<vmem>> -> memref<1x128xi32, #tpu.memory_space<vmem>>
          %dma_start3A_99 = tpu.memref_squeeze %dma_start3A_98 : memref<1x128xi32, #tpu.memory_space<vmem>> -> memref<128xi32, #tpu.memory_space<vmem>>
          %dma_start3A_100 = arith.constant 0 : i32
          %dma_start3A_101 = arith.constant 0 : i32
          %dma_start3A_102 = tpu.memref_slice %arg12[%dma_start3A_100, %dma_start3A_101] : memref<10240x64xf32, #tpu.memory_space<vmem_shared>> -> memref<10240x64xf32, #tpu.memory_space<vmem_shared>>
          tpu.enqueue_indirect_dma source(%arg10 : memref<128x64xf32, #tpu.memory_space<vmem>>) target(%dma_start3A_102 : memref<10240x64xf32, #tpu.memory_space<vmem_shared>>) offsets(%dma_start3A_99 : memref<128xi32, #tpu.memory_space<vmem>>) semaphore(%run_scoped3A : memref<!tpu.dma_semaphore, #tpu.memory_space<semaphore_mem>>) {add = true}
          %dma_wait3A_103 = arith.constant 0 : i32
          %dma_wait3A_104 = tpu.memref_slice %arg7[%scan3A_60, %dma_wait3A_103] : memref<157x128xi32, #tpu.memory_space<vmem>> -> memref<1x128xi32, #tpu.memory_space<vmem>>
          %dma_wait3A_105 = tpu.memref_squeeze %dma_wait3A_104 : memref<1x128xi32, #tpu.memory_space<vmem>> -> memref<128xi32, #tpu.memory_space<vmem>>
          %dma_wait3A_106 = arith.constant 0 : i32
          %dma_wait3A_107 = arith.constant 0 : i32
          %dma_wait3A_108 = tpu.memref_slice %arg12[%dma_wait3A_106, %dma_wait3A_107] : memref<10240x64xf32, #tpu.memory_space<vmem_shared>> -> memref<10240x64xf32, #tpu.memory_space<vmem_shared>>
          tpu.wait_indirect_dma semaphore(%run_scoped3A : memref<!tpu.dma_semaphore, #tpu.memory_space<semaphore_mem>>) src(%arg10 : memref<128x64xf32, #tpu.memory_space<vmem>>) dst(%dma_wait3A_108 : memref<10240x64xf32, #tpu.memory_space<vmem_shared>>)
          tpu.yield
        }) : () -> ()
      } else {
      }
      %rem3A_78 = arith.constant 4 : i32
      %rem3A_79 = arith.remsi %scan3A_60, %rem3A_78 : i32
      %eq3A_80 = arith.constant 3 : i32
      %eq3A_81 = arith.cmpi eq, %rem3A_79, %eq3A_80 : i32
      %convert_element_type3A_82 = arith.extui %eq3A_81 : i1 to i32
      %cond3A_83 = arith.constant 0 : i32
      %cond3A_84 = arith.cmpi ne, %convert_element_type3A_82, %cond3A_83 : i32
      scf.if %cond3A_84 {
        %dma_wait3A = arith.constant 0 : i32
        %dma_wait3A_85 = tpu.memref_slice %arg6[%scan3A_60, %dma_wait3A] : memref<157x128xi32, #tpu.memory_space<vmem>> -> memref<1x128xi32, #tpu.memory_space<vmem>>
        %dma_wait3A_86 = tpu.memref_squeeze %dma_wait3A_85 : memref<1x128xi32, #tpu.memory_space<vmem>> -> memref<128xi32, #tpu.memory_space<vmem>>
        %dma_wait3A_87 = arith.constant 0 : i32
        %dma_wait3A_88 = arith.constant 0 : i32
        %dma_wait3A_89 = tpu.memref_slice %arg2[%dma_wait3A_87, %dma_wait3A_88] : memref<20480x64xf32, #tpu.memory_space<hbm>> -> memref<20480x64xf32, #tpu.memory_space<hbm>>
        tpu.wait_indirect_dma semaphore(%arg16 : memref<!tpu.dma_semaphore, #tpu.memory_space<semaphore_mem>>) src(%dma_wait3A_89 : memref<20480x64xf32, #tpu.memory_space<hbm>>) dst(%arg11 : memref<128x64xf32, #tpu.memory_space<vmem>>)
        %add3A_90 = arith.constant 4 : i32
        %add3A_91 = arith.addi %scan3A_60, %add3A_90 : i32
        %sub3A = arith.constant 1 : i32
        %sub3A_92 = arith.subi %add3A_91, %sub3A : i32
        %lt3A = arith.constant 157 : i32
        %lt3A_93 = arith.cmpi slt, %sub3A_92, %lt3A : i32
        %convert_element_type3A_94 = arith.extui %lt3A_93 : i1 to i32
        %cond3A_95 = arith.constant 0 : i32
        %cond3A_96 = arith.cmpi ne, %convert_element_type3A_94, %cond3A_95 : i32
        scf.if %cond3A_96 {
          %dma_start3A_97 = arith.constant 0 : i32
          %dma_start3A_98 = tpu.memref_slice %arg6[%sub3A_92, %dma_start3A_97] : memref<157x128xi32, #tpu.memory_space<vmem>> -> memref<1x128xi32, #tpu.memory_space<vmem>>
          %dma_start3A_99 = tpu.memref_squeeze %dma_start3A_98 : memref<1x128xi32, #tpu.memory_space<vmem>> -> memref<128xi32, #tpu.memory_space<vmem>>
          %dma_start3A_100 = arith.constant 0 : i32
          %dma_start3A_101 = arith.constant 0 : i32
          %dma_start3A_102 = tpu.memref_slice %arg2[%dma_start3A_100, %dma_start3A_101] : memref<20480x64xf32, #tpu.memory_space<hbm>> -> memref<20480x64xf32, #tpu.memory_space<hbm>>
          tpu.enqueue_indirect_dma source(%dma_start3A_102 : memref<20480x64xf32, #tpu.memory_space<hbm>>) target(%arg10 : memref<128x64xf32, #tpu.memory_space<vmem>>) offsets(%dma_start3A_99 : memref<128xi32, #tpu.memory_space<vmem>>) semaphore(%arg15 : memref<!tpu.dma_semaphore, #tpu.memory_space<semaphore_mem>>)
        } else {
        }
        "tpu.region"() ({
          %run_scoped3A = tpu.sem_alloc : memref<!tpu.dma_semaphore, #tpu.memory_space<semaphore_mem>>
          %dma_start3A_97 = arith.constant 0 : i32
          %dma_start3A_98 = tpu.memref_slice %arg7[%scan3A_60, %dma_start3A_97] : memref<157x128xi32, #tpu.memory_space<vmem>> -> memref<1x128xi32, #tpu.memory_space<vmem>>
          %dma_start3A_99 = tpu.memref_squeeze %dma_start3A_98 : memref<1x128xi32, #tpu.memory_space<vmem>> -> memref<128xi32, #tpu.memory_space<vmem>>
          %dma_start3A_100 = arith.constant 0 : i32
          %dma_start3A_101 = arith.constant 0 : i32
          %dma_start3A_102 = tpu.memref_slice %arg12[%dma_start3A_100, %dma_start3A_101] : memref<10240x64xf32, #tpu.memory_space<vmem_shared>> -> memref<10240x64xf32, #tpu.memory_space<vmem_shared>>
          tpu.enqueue_indirect_dma source(%arg11 : memref<128x64xf32, #tpu.memory_space<vmem>>) target(%dma_start3A_102 : memref<10240x64xf32, #tpu.memory_space<vmem_shared>>) offsets(%dma_start3A_99 : memref<128xi32, #tpu.memory_space<vmem>>) semaphore(%run_scoped3A : memref<!tpu.dma_semaphore, #tpu.memory_space<semaphore_mem>>) {add = true}
          %dma_wait3A_103 = arith.constant 0 : i32
          %dma_wait3A_104 = tpu.memref_slice %arg7[%scan3A_60, %dma_wait3A_103] : memref<157x128xi32, #tpu.memory_space<vmem>> -> memref<1x128xi32, #tpu.memory_space<vmem>>
          %dma_wait3A_105 = tpu.memref_squeeze %dma_wait3A_104 : memref<1x128xi32, #tpu.memory_space<vmem>> -> memref<128xi32, #tpu.memory_space<vmem>>
          %dma_wait3A_106 = arith.constant 0 : i32
          %dma_wait3A_107 = arith.constant 0 : i32
          %dma_wait3A_108 = tpu.memref_slice %arg12[%dma_wait3A_106, %dma_wait3A_107] : memref<10240x64xf32, #tpu.memory_space<vmem_shared>> -> memref<10240x64xf32, #tpu.memory_space<vmem_shared>>
          tpu.wait_indirect_dma semaphore(%run_scoped3A : memref<!tpu.dma_semaphore, #tpu.memory_space<semaphore_mem>>) src(%arg11 : memref<128x64xf32, #tpu.memory_space<vmem>>) dst(%dma_wait3A_108 : memref<10240x64xf32, #tpu.memory_space<vmem_shared>>)
          tpu.yield
        }) : () -> ()
      } else {
      }
    }
    %scan3A_54 = arith.constant 157 : i32
    %barrier3A_55 = arith.constant 0 : index
    tpu.barrier barrier_id(%barrier3A_55)
    %mul3A_56 = arith.constant 640 : i32
    %mul3A_57 = arith.muli %arg1, %mul3A_56 : i32
    %mul3A_58 = arith.constant 640 : i32
    %mul3A_59 = arith.muli %arg1, %mul3A_58 : i32
    "tpu.region"() ({
      %run_scoped3A = tpu.sem_alloc : memref<!tpu.dma_semaphore, #tpu.memory_space<semaphore_mem>>
      %dma_start3A_60 = arith.constant 0 : i32
      %dma_start3A_61 = tpu.memref_slice %arg5[%arg0, %mul3A_59, %dma_start3A_60] : memref<2x10240x64xf32, #tpu.memory_space<hbm>> -> memref<1x640x64xf32, #tpu.memory_space<hbm>>
      %dma_start3A_62 = tpu.memref_squeeze %dma_start3A_61 : memref<1x640x64xf32, #tpu.memory_space<hbm>> -> memref<640x64xf32, #tpu.memory_space<hbm>>
      %dma_start3A_63 = arith.constant 0 : i32
      %dma_start3A_64 = tpu.memref_slice %arg12[%mul3A_57, %dma_start3A_63] : memref<10240x64xf32, #tpu.memory_space<vmem_shared>> -> memref<640x64xf32, #tpu.memory_space<vmem_shared>>
      tpu.enqueue_dma source(%dma_start3A_64 : memref<640x64xf32, #tpu.memory_space<vmem_shared>>) target(%dma_start3A_62 : memref<640x64xf32, #tpu.memory_space<hbm>>) target_semaphore(%run_scoped3A : memref<!tpu.dma_semaphore, #tpu.memory_space<semaphore_mem>>)
      %dma_wait3A = arith.constant 0 : i32
      %dma_wait3A_65 = tpu.memref_slice %arg5[%arg0, %mul3A_59, %dma_wait3A] : memref<2x10240x64xf32, #tpu.memory_space<hbm>> -> memref<1x640x64xf32, #tpu.memory_space<hbm>>
      %dma_wait3A_66 = tpu.memref_squeeze %dma_wait3A_65 : memref<1x640x64xf32, #tpu.memory_space<hbm>> -> memref<640x64xf32, #tpu.memory_space<hbm>>
      %dma_wait3A_67 = arith.constant 0 : i32
      %dma_wait3A_68 = tpu.memref_slice %arg12[%mul3A_57, %dma_wait3A_67] : memref<10240x64xf32, #tpu.memory_space<vmem_shared>> -> memref<640x64xf32, #tpu.memory_space<vmem_shared>>
      tpu.wait_dma2 semaphore(%run_scoped3A : memref<!tpu.dma_semaphore, #tpu.memory_space<semaphore_mem>>) src(%dma_wait3A_68 : memref<640x64xf32, #tpu.memory_space<vmem_shared>>) dst(%dma_wait3A_66 : memref<640x64xf32, #tpu.memory_space<hbm>>)
      tpu.yield
    }) : () -> ()
    return
  }
}

#map = affine_map<(d0, d1) -> (0, 0)>
#map1 = affine_map<(d0, d1) -> (0, 0, 0)>
module attributes {stable_mosaic.version = 14 : i64} {
  func.func @_sc_body(%arg0: i32, %arg1: i32, %arg2: memref<20000x64xf32, #tpu.memory_space<hbm>>, %arg3: memref<16x157x128xi32, #tpu.memory_space<hbm>>, %arg4: memref<16x157x128xi32, #tpu.memory_space<hbm>>, %arg5: memref<2x10240x64xf32, #tpu.memory_space<hbm>>, %arg6: memref<2x10240x16xf32, #tpu.memory_space<hbm>>, %arg7: memref<157x128xi32, #tpu.memory_space<vmem>>, %arg8: memref<157x128xi32, #tpu.memory_space<vmem>>, %arg9: memref<128x64xf32, #tpu.memory_space<vmem>>, %arg10: memref<128x64xf32, #tpu.memory_space<vmem>>, %arg11: memref<128x64xf32, #tpu.memory_space<vmem>>, %arg12: memref<128x64xf32, #tpu.memory_space<vmem>>, %arg13: memref<128x16xf32, #tpu.memory_space<vmem>>, %arg14: memref<128x16xf32, #tpu.memory_space<vmem>>, %arg15: memref<10240x64xf32, #tpu.memory_space<vmem_shared>>, %arg16: memref<10240x16xf32, #tpu.memory_space<vmem_shared>>, %arg17: memref<!tpu.dma_semaphore, #tpu.memory_space<semaphore_mem>>, %arg18: memref<!tpu.dma_semaphore, #tpu.memory_space<semaphore_mem>>, %arg19: memref<!tpu.dma_semaphore, #tpu.memory_space<semaphore_mem>>, %arg20: memref<!tpu.dma_semaphore, #tpu.memory_space<semaphore_mem>>) attributes {dimension_semantics = [#tpu.dimension_semantics<core_parallel>, #tpu.dimension_semantics<subcore_parallel>], iteration_bounds = array<i64: 2, 16>, scalar_prefetch = 0 : i64, scratch_operands = 14 : i64, tpu.core_type = #tpu.core_type<sc_vector_subcore>, window_params = [{transform_indices = #map}, {transform_indices = #map1}, {transform_indices = #map1}, {transform_indices = #map1}, {transform_indices = #map1}]} {
    "tpu.region"() ({
      %run_scoped3A = tpu.sem_alloc : memref<!tpu.dma_semaphore, #tpu.memory_space<semaphore_mem>>
      %dma_start3A_90 = arith.constant 0 : i32
      %dma_start3A_91 = arith.constant 0 : i32
      %dma_start3A_92 = tpu.memref_slice %arg3[%arg1, %dma_start3A_90, %dma_start3A_91] : memref<16x157x128xi32, #tpu.memory_space<hbm>> -> memref<1x157x128xi32, #tpu.memory_space<hbm>>
      %dma_start3A_93 = tpu.memref_squeeze %dma_start3A_92 : memref<1x157x128xi32, #tpu.memory_space<hbm>> -> memref<157x128xi32, #tpu.memory_space<hbm>>
      %dma_start3A_94 = arith.constant 0 : i32
      %dma_start3A_95 = arith.constant 0 : i32
      %dma_start3A_96 = tpu.memref_slice %arg3[%arg1, %dma_start3A_94, %dma_start3A_95] : memref<16x157x128xi32, #tpu.memory_space<hbm>> -> memref<1x157x128xi32, #tpu.memory_space<hbm>>
      %dma_start3A_97 = tpu.memref_squeeze %dma_start3A_96 : memref<1x157x128xi32, #tpu.memory_space<hbm>> -> memref<157x128xi32, #tpu.memory_space<hbm>>
      tpu.enqueue_dma source(%dma_start3A_97 : memref<157x128xi32, #tpu.memory_space<hbm>>) target(%arg7 : memref<157x128xi32, #tpu.memory_space<vmem>>) target_semaphore(%run_scoped3A : memref<!tpu.dma_semaphore, #tpu.memory_space<semaphore_mem>>)
      %dma_wait3A = arith.constant 0 : i32
      %dma_wait3A_98 = arith.constant 0 : i32
      %dma_wait3A_99 = tpu.memref_slice %arg3[%arg1, %dma_wait3A, %dma_wait3A_98] : memref<16x157x128xi32, #tpu.memory_space<hbm>> -> memref<1x157x128xi32, #tpu.memory_space<hbm>>
      %dma_wait3A_100 = tpu.memref_squeeze %dma_wait3A_99 : memref<1x157x128xi32, #tpu.memory_space<hbm>> -> memref<157x128xi32, #tpu.memory_space<hbm>>
      %dma_wait3A_101 = arith.constant 0 : i32
      %dma_wait3A_102 = arith.constant 0 : i32
      %dma_wait3A_103 = tpu.memref_slice %arg3[%arg1, %dma_wait3A_101, %dma_wait3A_102] : memref<16x157x128xi32, #tpu.memory_space<hbm>> -> memref<1x157x128xi32, #tpu.memory_space<hbm>>
      %dma_wait3A_104 = tpu.memref_squeeze %dma_wait3A_103 : memref<1x157x128xi32, #tpu.memory_space<hbm>> -> memref<157x128xi32, #tpu.memory_space<hbm>>
      tpu.wait_dma2 semaphore(%run_scoped3A : memref<!tpu.dma_semaphore, #tpu.memory_space<semaphore_mem>>) src(%dma_wait3A_104 : memref<157x128xi32, #tpu.memory_space<hbm>>) dst(%arg7 : memref<157x128xi32, #tpu.memory_space<vmem>>)
      tpu.yield
    }) : () -> ()
    "tpu.region"() ({
      %run_scoped3A = tpu.sem_alloc : memref<!tpu.dma_semaphore, #tpu.memory_space<semaphore_mem>>
      %dma_start3A_90 = arith.constant 0 : i32
      %dma_start3A_91 = arith.constant 0 : i32
      %dma_start3A_92 = tpu.memref_slice %arg4[%arg1, %dma_start3A_90, %dma_start3A_91] : memref<16x157x128xi32, #tpu.memory_space<hbm>> -> memref<1x157x128xi32, #tpu.memory_space<hbm>>
      %dma_start3A_93 = tpu.memref_squeeze %dma_start3A_92 : memref<1x157x128xi32, #tpu.memory_space<hbm>> -> memref<157x128xi32, #tpu.memory_space<hbm>>
      %dma_start3A_94 = arith.constant 0 : i32
      %dma_start3A_95 = arith.constant 0 : i32
      %dma_start3A_96 = tpu.memref_slice %arg4[%arg1, %dma_start3A_94, %dma_start3A_95] : memref<16x157x128xi32, #tpu.memory_space<hbm>> -> memref<1x157x128xi32, #tpu.memory_space<hbm>>
      %dma_start3A_97 = tpu.memref_squeeze %dma_start3A_96 : memref<1x157x128xi32, #tpu.memory_space<hbm>> -> memref<157x128xi32, #tpu.memory_space<hbm>>
      tpu.enqueue_dma source(%dma_start3A_97 : memref<157x128xi32, #tpu.memory_space<hbm>>) target(%arg8 : memref<157x128xi32, #tpu.memory_space<vmem>>) target_semaphore(%run_scoped3A : memref<!tpu.dma_semaphore, #tpu.memory_space<semaphore_mem>>)
      %dma_wait3A = arith.constant 0 : i32
      %dma_wait3A_98 = arith.constant 0 : i32
      %dma_wait3A_99 = tpu.memref_slice %arg4[%arg1, %dma_wait3A, %dma_wait3A_98] : memref<16x157x128xi32, #tpu.memory_space<hbm>> -> memref<1x157x128xi32, #tpu.memory_space<hbm>>
      %dma_wait3A_100 = tpu.memref_squeeze %dma_wait3A_99 : memref<1x157x128xi32, #tpu.memory_space<hbm>> -> memref<157x128xi32, #tpu.memory_space<hbm>>
      %dma_wait3A_101 = arith.constant 0 : i32
      %dma_wait3A_102 = arith.constant 0 : i32
      %dma_wait3A_103 = tpu.memref_slice %arg4[%arg1, %dma_wait3A_101, %dma_wait3A_102] : memref<16x157x128xi32, #tpu.memory_space<hbm>> -> memref<1x157x128xi32, #tpu.memory_space<hbm>>
      %dma_wait3A_104 = tpu.memref_squeeze %dma_wait3A_103 : memref<1x157x128xi32, #tpu.memory_space<hbm>> -> memref<157x128xi32, #tpu.memory_space<hbm>>
      tpu.wait_dma2 semaphore(%run_scoped3A : memref<!tpu.dma_semaphore, #tpu.memory_space<semaphore_mem>>) src(%dma_wait3A_104 : memref<157x128xi32, #tpu.memory_space<hbm>>) dst(%arg8 : memref<157x128xi32, #tpu.memory_space<vmem>>)
      tpu.yield
    }) : () -> ()
    %scan3A = arith.constant 0 : i32
    %scan3A_0 = arith.constant 0 : i32
    %scan3A_1 = arith.constant 157 : i32
    %scan3A_2 = arith.addi %scan3A_0, %scan3A_1 : i32
    %scan3A_3 = arith.constant 1 : i32
    scf.for %scan3A_90 = %scan3A_0 to %scan3A_2 step %scan3A_3  : i32 {
      %get3A = arith.index_cast %scan3A_90 : i32 to index
      %get3A_91 = arith.constant 0 : index
      %get3A_92 = tpu.vector_load %arg7[%get3A, %get3A_91] {strides = array<i32>} : memref<157x128xi32, #tpu.memory_space<vmem>>, vector<1x16xi32>,
      %get3A_93 = vector.shape_cast %get3A_92 : vector<1x16xi32> to vector<16xi32>
      %mul3A_94 = arith.constant 2 : i32
      %mul3A_95 = vector.broadcast %mul3A_94 : i32 to vector<16xi32>
      %mul3A_96 = arith.muli %get3A_93, %mul3A_95 : vector<16xi32>
      %add3A_97 = vector.broadcast %arg0 : i32 to vector<16xi32>
      %add3A_98 = arith.addi %mul3A_96, %add3A_97 : vector<16xi32>
      %swap3A = arith.index_cast %scan3A_90 : i32 to index
      %swap3A_99 = arith.constant 0 : index
      %swap3A_100 = tpu.vector_load %arg7[%swap3A, %swap3A_99] {strides = array<i32>} : memref<157x128xi32, #tpu.memory_space<vmem>>, vector<1x16xi32>,
      %swap3A_101 = vector.shape_cast %swap3A_100 : vector<1x16xi32> to vector<16xi32>
      %swap3A_102 = vector.shape_cast %add3A_98 : vector<16xi32> to vector<1x16xi32>
      tpu.vector_store %arg7[%swap3A, %swap3A_99], %swap3A_102 {strides = array<i32>} : memref<157x128xi32, #tpu.memory_space<vmem>>, vector<1x16xi32>,
      %get3A_103 = arith.index_cast %scan3A_90 : i32 to index
      %get3A_104 = arith.constant 16 : index
      %get3A_105 = tpu.vector_load %arg7[%get3A_103, %get3A_104] {strides = array<i32>} : memref<157x128xi32, #tpu.memory_space<vmem>>, vector<1x16xi32>,
      %get3A_106 = vector.shape_cast %get3A_105 : vector<1x16xi32> to vector<16xi32>
      %mul3A_107 = arith.constant 2 : i32
      %mul3A_108 = vector.broadcast %mul3A_107 : i32 to vector<16xi32>
      %mul3A_109 = arith.muli %get3A_106, %mul3A_108 : vector<16xi32>
      %add3A_110 = vector.broadcast %arg0 : i32 to vector<16xi32>
      %add3A_111 = arith.addi %mul3A_109, %add3A_110 : vector<16xi32>
      %swap3A_112 = arith.index_cast %scan3A_90 : i32 to index
      %swap3A_113 = arith.constant 16 : index
      %swap3A_114 = tpu.vector_load %arg7[%swap3A_112, %swap3A_113] {strides = array<i32>} : memref<157x128xi32, #tpu.memory_space<vmem>>, vector<1x16xi32>,
      %swap3A_115 = vector.shape_cast %swap3A_114 : vector<1x16xi32> to vector<16xi32>
      %swap3A_116 = vector.shape_cast %add3A_111 : vector<16xi32> to vector<1x16xi32>
      tpu.vector_store %arg7[%swap3A_112, %swap3A_113], %swap3A_116 {strides = array<i32>} : memref<157x128xi32, #tpu.memory_space<vmem>>, vector<1x16xi32>,
      %get3A_117 = arith.index_cast %scan3A_90 : i32 to index
      %get3A_118 = arith.constant 32 : index
      %get3A_119 = tpu.vector_load %arg7[%get3A_117, %get3A_118] {strides = array<i32>} : memref<157x128xi32, #tpu.memory_space<vmem>>, vector<1x16xi32>,
      %get3A_120 = vector.shape_cast %get3A_119 : vector<1x16xi32> to vector<16xi32>
      %mul3A_121 = arith.constant 2 : i32
      %mul3A_122 = vector.broadcast %mul3A_121 : i32 to vector<16xi32>
      %mul3A_123 = arith.muli %get3A_120, %mul3A_122 : vector<16xi32>
      %add3A_124 = vector.broadcast %arg0 : i32 to vector<16xi32>
      %add3A_125 = arith.addi %mul3A_123, %add3A_124 : vector<16xi32>
      %swap3A_126 = arith.index_cast %scan3A_90 : i32 to index
      %swap3A_127 = arith.constant 32 : index
      %swap3A_128 = tpu.vector_load %arg7[%swap3A_126, %swap3A_127] {strides = array<i32>} : memref<157x128xi32, #tpu.memory_space<vmem>>, vector<1x16xi32>,
      %swap3A_129 = vector.shape_cast %swap3A_128 : vector<1x16xi32> to vector<16xi32>
      %swap3A_130 = vector.shape_cast %add3A_125 : vector<16xi32> to vector<1x16xi32>
      tpu.vector_store %arg7[%swap3A_126, %swap3A_127], %swap3A_130 {strides = array<i32>} : memref<157x128xi32, #tpu.memory_space<vmem>>, vector<1x16xi32>,
      %get3A_131 = arith.index_cast %scan3A_90 : i32 to index
      %get3A_132 = arith.constant 48 : index
      %get3A_133 = tpu.vector_load %arg7[%get3A_131, %get3A_132] {strides = array<i32>} : memref<157x128xi32, #tpu.memory_space<vmem>>, vector<1x16xi32>,
      %get3A_134 = vector.shape_cast %get3A_133 : vector<1x16xi32> to vector<16xi32>
      %mul3A_135 = arith.constant 2 : i32
      %mul3A_136 = vector.broadcast %mul3A_135 : i32 to vector<16xi32>
      %mul3A_137 = arith.muli %get3A_134, %mul3A_136 : vector<16xi32>
      %add3A_138 = vector.broadcast %arg0 : i32 to vector<16xi32>
      %add3A_139 = arith.addi %mul3A_137, %add3A_138 : vector<16xi32>
      %swap3A_140 = arith.index_cast %scan3A_90 : i32 to index
      %swap3A_141 = arith.constant 48 : index
      %swap3A_142 = tpu.vector_load %arg7[%swap3A_140, %swap3A_141] {strides = array<i32>} : memref<157x128xi32, #tpu.memory_space<vmem>>, vector<1x16xi32>,
      %swap3A_143 = vector.shape_cast %swap3A_142 : vector<1x16xi32> to vector<16xi32>
      %swap3A_144 = vector.shape_cast %add3A_139 : vector<16xi32> to vector<1x16xi32>
      tpu.vector_store %arg7[%swap3A_140, %swap3A_141], %swap3A_144 {strides = array<i32>} : memref<157x128xi32, #tpu.memory_space<vmem>>, vector<1x16xi32>,
      %get3A_145 = arith.index_cast %scan3A_90 : i32 to index
      %get3A_146 = arith.constant 64 : index
      %get3A_147 = tpu.vector_load %arg7[%get3A_145, %get3A_146] {strides = array<i32>} : memref<157x128xi32, #tpu.memory_space<vmem>>, vector<1x16xi32>,
      %get3A_148 = vector.shape_cast %get3A_147 : vector<1x16xi32> to vector<16xi32>
      %mul3A_149 = arith.constant 2 : i32
      %mul3A_150 = vector.broadcast %mul3A_149 : i32 to vector<16xi32>
      %mul3A_151 = arith.muli %get3A_148, %mul3A_150 : vector<16xi32>
      %add3A_152 = vector.broadcast %arg0 : i32 to vector<16xi32>
      %add3A_153 = arith.addi %mul3A_151, %add3A_152 : vector<16xi32>
      %swap3A_154 = arith.index_cast %scan3A_90 : i32 to index
      %swap3A_155 = arith.constant 64 : index
      %swap3A_156 = tpu.vector_load %arg7[%swap3A_154, %swap3A_155] {strides = array<i32>} : memref<157x128xi32, #tpu.memory_space<vmem>>, vector<1x16xi32>,
      %swap3A_157 = vector.shape_cast %swap3A_156 : vector<1x16xi32> to vector<16xi32>
      %swap3A_158 = vector.shape_cast %add3A_153 : vector<16xi32> to vector<1x16xi32>
      tpu.vector_store %arg7[%swap3A_154, %swap3A_155], %swap3A_158 {strides = array<i32>} : memref<157x128xi32, #tpu.memory_space<vmem>>, vector<1x16xi32>,
      %get3A_159 = arith.index_cast %scan3A_90 : i32 to index
      %get3A_160 = arith.constant 80 : index
      %get3A_161 = tpu.vector_load %arg7[%get3A_159, %get3A_160] {strides = array<i32>} : memref<157x128xi32, #tpu.memory_space<vmem>>, vector<1x16xi32>,
      %get3A_162 = vector.shape_cast %get3A_161 : vector<1x16xi32> to vector<16xi32>
      %mul3A_163 = arith.constant 2 : i32
      %mul3A_164 = vector.broadcast %mul3A_163 : i32 to vector<16xi32>
      %mul3A_165 = arith.muli %get3A_162, %mul3A_164 : vector<16xi32>
      %add3A_166 = vector.broadcast %arg0 : i32 to vector<16xi32>
      %add3A_167 = arith.addi %mul3A_165, %add3A_166 : vector<16xi32>
      %swap3A_168 = arith.index_cast %scan3A_90 : i32 to index
      %swap3A_169 = arith.constant 80 : index
      %swap3A_170 = tpu.vector_load %arg7[%swap3A_168, %swap3A_169] {strides = array<i32>} : memref<157x128xi32, #tpu.memory_space<vmem>>, vector<1x16xi32>,
      %swap3A_171 = vector.shape_cast %swap3A_170 : vector<1x16xi32> to vector<16xi32>
      %swap3A_172 = vector.shape_cast %add3A_167 : vector<16xi32> to vector<1x16xi32>
      tpu.vector_store %arg7[%swap3A_168, %swap3A_169], %swap3A_172 {strides = array<i32>} : memref<157x128xi32, #tpu.memory_space<vmem>>, vector<1x16xi32>,
      %get3A_173 = arith.index_cast %scan3A_90 : i32 to index
      %get3A_174 = arith.constant 96 : index
      %get3A_175 = tpu.vector_load %arg7[%get3A_173, %get3A_174] {strides = array<i32>} : memref<157x128xi32, #tpu.memory_space<vmem>>, vector<1x16xi32>,
      %get3A_176 = vector.shape_cast %get3A_175 : vector<1x16xi32> to vector<16xi32>
      %mul3A_177 = arith.constant 2 : i32
      %mul3A_178 = vector.broadcast %mul3A_177 : i32 to vector<16xi32>
      %mul3A_179 = arith.muli %get3A_176, %mul3A_178 : vector<16xi32>
      %add3A_180 = vector.broadcast %arg0 : i32 to vector<16xi32>
      %add3A_181 = arith.addi %mul3A_179, %add3A_180 : vector<16xi32>
      %swap3A_182 = arith.index_cast %scan3A_90 : i32 to index
      %swap3A_183 = arith.constant 96 : index
      %swap3A_184 = tpu.vector_load %arg7[%swap3A_182, %swap3A_183] {strides = array<i32>} : memref<157x128xi32, #tpu.memory_space<vmem>>, vector<1x16xi32>,
      %swap3A_185 = vector.shape_cast %swap3A_184 : vector<1x16xi32> to vector<16xi32>
      %swap3A_186 = vector.shape_cast %add3A_181 : vector<16xi32> to vector<1x16xi32>
      tpu.vector_store %arg7[%swap3A_182, %swap3A_183], %swap3A_186 {strides = array<i32>} : memref<157x128xi32, #tpu.memory_space<vmem>>, vector<1x16xi32>,
      %get3A_187 = arith.index_cast %scan3A_90 : i32 to index
      %get3A_188 = arith.constant 112 : index
      %get3A_189 = tpu.vector_load %arg7[%get3A_187, %get3A_188] {strides = array<i32>} : memref<157x128xi32, #tpu.memory_space<vmem>>, vector<1x16xi32>,
      %get3A_190 = vector.shape_cast %get3A_189 : vector<1x16xi32> to vector<16xi32>
      %mul3A_191 = arith.constant 2 : i32
      %mul3A_192 = vector.broadcast %mul3A_191 : i32 to vector<16xi32>
      %mul3A_193 = arith.muli %get3A_190, %mul3A_192 : vector<16xi32>
      %add3A_194 = vector.broadcast %arg0 : i32 to vector<16xi32>
      %add3A_195 = arith.addi %mul3A_193, %add3A_194 : vector<16xi32>
      %swap3A_196 = arith.index_cast %scan3A_90 : i32 to index
      %swap3A_197 = arith.constant 112 : index
      %swap3A_198 = tpu.vector_load %arg7[%swap3A_196, %swap3A_197] {strides = array<i32>} : memref<157x128xi32, #tpu.memory_space<vmem>>, vector<1x16xi32>,
      %swap3A_199 = vector.shape_cast %swap3A_198 : vector<1x16xi32> to vector<16xi32>
      %swap3A_200 = vector.shape_cast %add3A_195 : vector<16xi32> to vector<1x16xi32>
      tpu.vector_store %arg7[%swap3A_196, %swap3A_197], %swap3A_200 {strides = array<i32>} : memref<157x128xi32, #tpu.memory_space<vmem>>, vector<1x16xi32>,
    }
    %scan3A_4 = arith.constant 157 : i32
    %scan3A_5 = arith.constant 0 : i32
    %scan3A_6 = arith.constant 0 : i32
    %scan3A_7 = arith.constant 128 : i32
    %scan3A_8 = arith.addi %scan3A_6, %scan3A_7 : i32
    %scan3A_9 = arith.constant 1 : i32
    scf.for %scan3A_90 = %scan3A_6 to %scan3A_8 step %scan3A_9  : i32 {
      %broadcast_in_dim3A = arith.constant 0.000000e+00 : f32
      %broadcast_in_dim3A_91 = vector.broadcast %broadcast_in_dim3A : f32 to vector<16xf32>
      %swap3A = arith.index_cast %scan3A_90 : i32 to index
      %swap3A_92 = arith.constant 0 : index
      %swap3A_93 = tpu.vector_load %arg9[%swap3A, %swap3A_92] {strides = array<i32>} : memref<128x64xf32, #tpu.memory_space<vmem>>, vector<1x16xf32>,
      %swap3A_94 = vector.shape_cast %swap3A_93 : vector<1x16xf32> to vector<16xf32>
      %swap3A_95 = vector.shape_cast %broadcast_in_dim3A_91 : vector<16xf32> to vector<1x16xf32>
      tpu.vector_store %arg9[%swap3A, %swap3A_92], %swap3A_95 {strides = array<i32>} : memref<128x64xf32, #tpu.memory_space<vmem>>, vector<1x16xf32>,
      %broadcast_in_dim3A_96 = arith.constant 0.000000e+00 : f32
      %broadcast_in_dim3A_97 = vector.broadcast %broadcast_in_dim3A_96 : f32 to vector<16xf32>
      %swap3A_98 = arith.index_cast %scan3A_90 : i32 to index
      %swap3A_99 = arith.constant 16 : index
      %swap3A_100 = tpu.vector_load %arg9[%swap3A_98, %swap3A_99] {strides = array<i32>} : memref<128x64xf32, #tpu.memory_space<vmem>>, vector<1x16xf32>,
      %swap3A_101 = vector.shape_cast %swap3A_100 : vector<1x16xf32> to vector<16xf32>
      %swap3A_102 = vector.shape_cast %broadcast_in_dim3A_97 : vector<16xf32> to vector<1x16xf32>
      tpu.vector_store %arg9[%swap3A_98, %swap3A_99], %swap3A_102 {strides = array<i32>} : memref<128x64xf32, #tpu.memory_space<vmem>>, vector<1x16xf32>,
      %broadcast_in_dim3A_103 = arith.constant 0.000000e+00 : f32
      %broadcast_in_dim3A_104 = vector.broadcast %broadcast_in_dim3A_103 : f32 to vector<16xf32>
      %swap3A_105 = arith.index_cast %scan3A_90 : i32 to index
      %swap3A_106 = arith.constant 32 : index
      %swap3A_107 = tpu.vector_load %arg9[%swap3A_105, %swap3A_106] {strides = array<i32>} : memref<128x64xf32, #tpu.memory_space<vmem>>, vector<1x16xf32>,
      %swap3A_108 = vector.shape_cast %swap3A_107 : vector<1x16xf32> to vector<16xf32>
      %swap3A_109 = vector.shape_cast %broadcast_in_dim3A_104 : vector<16xf32> to vector<1x16xf32>
      tpu.vector_store %arg9[%swap3A_105, %swap3A_106], %swap3A_109 {strides = array<i32>} : memref<128x64xf32, #tpu.memory_space<vmem>>, vector<1x16xf32>,
      %broadcast_in_dim3A_110 = arith.constant 0.000000e+00 : f32
      %broadcast_in_dim3A_111 = vector.broadcast %broadcast_in_dim3A_110 : f32 to vector<16xf32>
      %swap3A_112 = arith.index_cast %scan3A_90 : i32 to index
      %swap3A_113 = arith.constant 48 : index
      %swap3A_114 = tpu.vector_load %arg9[%swap3A_112, %swap3A_113] {strides = array<i32>} : memref<128x64xf32, #tpu.memory_space<vmem>>, vector<1x16xf32>,
      %swap3A_115 = vector.shape_cast %swap3A_114 : vector<1x16xf32> to vector<16xf32>
      %swap3A_116 = vector.shape_cast %broadcast_in_dim3A_111 : vector<16xf32> to vector<1x16xf32>
      tpu.vector_store %arg9[%swap3A_112, %swap3A_113], %swap3A_116 {strides = array<i32>} : memref<128x64xf32, #tpu.memory_space<vmem>>, vector<1x16xf32>,
    }
    %scan3A_10 = arith.constant 128 : i32
    %mul3A = arith.constant 640 : i32
    %mul3A_11 = arith.muli %arg1, %mul3A : i32
    %add3A = arith.constant 0 : i32
    %add3A_12 = arith.addi %mul3A_11, %add3A : i32
    "tpu.region"() ({
      %run_scoped3A = tpu.sem_alloc : memref<!tpu.dma_semaphore, #tpu.memory_space<semaphore_mem>>
      %dma_start3A_90 = arith.constant 0 : i32
      %dma_start3A_91 = tpu.memref_slice %arg15[%add3A_12, %dma_start3A_90] : memref<10240x64xf32, #tpu.memory_space<vmem_shared>> -> memref<128x64xf32, #tpu.memory_space<vmem_shared>>
      %dma_start3A_92 = arith.constant 0 : i32
      %dma_start3A_93 = tpu.memref_slice %arg15[%add3A_12, %dma_start3A_92] : memref<10240x64xf32, #tpu.memory_space<vmem_shared>> -> memref<128x64xf32, #tpu.memory_space<vmem_shared>>
      tpu.enqueue_dma source(%arg9 : memref<128x64xf32, #tpu.memory_space<vmem>>) target(%dma_start3A_93 : memref<128x64xf32, #tpu.memory_space<vmem_shared>>) target_semaphore(%run_scoped3A : memref<!tpu.dma_semaphore, #tpu.memory_space<semaphore_mem>>)
      %dma_wait3A = arith.constant 0 : i32
      %dma_wait3A_94 = tpu.memref_slice %arg15[%add3A_12, %dma_wait3A] : memref<10240x64xf32, #tpu.memory_space<vmem_shared>> -> memref<128x64xf32, #tpu.memory_space<vmem_shared>>
      %dma_wait3A_95 = arith.constant 0 : i32
      %dma_wait3A_96 = tpu.memref_slice %arg15[%add3A_12, %dma_wait3A_95] : memref<10240x64xf32, #tpu.memory_space<vmem_shared>> -> memref<128x64xf32, #tpu.memory_space<vmem_shared>>
      tpu.wait_dma2 semaphore(%run_scoped3A : memref<!tpu.dma_semaphore, #tpu.memory_space<semaphore_mem>>) src(%arg9 : memref<128x64xf32, #tpu.memory_space<vmem>>) dst(%dma_wait3A_96 : memref<128x64xf32, #tpu.memory_space<vmem_shared>>)
      tpu.yield
    }) : () -> ()
    %mul3A_13 = arith.constant 640 : i32
    %mul3A_14 = arith.muli %arg1, %mul3A_13 : i32
    %add3A_15 = arith.constant 128 : i32
    %add3A_16 = arith.addi %mul3A_14, %add3A_15 : i32
    "tpu.region"() ({
      %run_scoped3A = tpu.sem_alloc : memref<!tpu.dma_semaphore, #tpu.memory_space<semaphore_mem>>
      %dma_start3A_90 = arith.constant 0 : i32
      %dma_start3A_91 = tpu.memref_slice %arg15[%add3A_16, %dma_start3A_90] : memref<10240x64xf32, #tpu.memory_space<vmem_shared>> -> memref<128x64xf32, #tpu.memory_space<vmem_shared>>
      %dma_start3A_92 = arith.constant 0 : i32
      %dma_start3A_93 = tpu.memref_slice %arg15[%add3A_16, %dma_start3A_92] : memref<10240x64xf32, #tpu.memory_space<vmem_shared>> -> memref<128x64xf32, #tpu.memory_space<vmem_shared>>
      tpu.enqueue_dma source(%arg9 : memref<128x64xf32, #tpu.memory_space<vmem>>) target(%dma_start3A_93 : memref<128x64xf32, #tpu.memory_space<vmem_shared>>) target_semaphore(%run_scoped3A : memref<!tpu.dma_semaphore, #tpu.memory_space<semaphore_mem>>)
      %dma_wait3A = arith.constant 0 : i32
      %dma_wait3A_94 = tpu.memref_slice %arg15[%add3A_16, %dma_wait3A] : memref<10240x64xf32, #tpu.memory_space<vmem_shared>> -> memref<128x64xf32, #tpu.memory_space<vmem_shared>>
      %dma_wait3A_95 = arith.constant 0 : i32
      %dma_wait3A_96 = tpu.memref_slice %arg15[%add3A_16, %dma_wait3A_95] : memref<10240x64xf32, #tpu.memory_space<vmem_shared>> -> memref<128x64xf32, #tpu.memory_space<vmem_shared>>
      tpu.wait_dma2 semaphore(%run_scoped3A : memref<!tpu.dma_semaphore, #tpu.memory_space<semaphore_mem>>) src(%arg9 : memref<128x64xf32, #tpu.memory_space<vmem>>) dst(%dma_wait3A_96 : memref<128x64xf32, #tpu.memory_space<vmem_shared>>)
      tpu.yield
    }) : () -> ()
    %mul3A_17 = arith.constant 640 : i32
    %mul3A_18 = arith.muli %arg1, %mul3A_17 : i32
    %add3A_19 = arith.constant 256 : i32
    %add3A_20 = arith.addi %mul3A_18, %add3A_19 : i32
    "tpu.region"() ({
      %run_scoped3A = tpu.sem_alloc : memref<!tpu.dma_semaphore, #tpu.memory_space<semaphore_mem>>
      %dma_start3A_90 = arith.constant 0 : i32
      %dma_start3A_91 = tpu.memref_slice %arg15[%add3A_20, %dma_start3A_90] : memref<10240x64xf32, #tpu.memory_space<vmem_shared>> -> memref<128x64xf32, #tpu.memory_space<vmem_shared>>
      %dma_start3A_92 = arith.constant 0 : i32
      %dma_start3A_93 = tpu.memref_slice %arg15[%add3A_20, %dma_start3A_92] : memref<10240x64xf32, #tpu.memory_space<vmem_shared>> -> memref<128x64xf32, #tpu.memory_space<vmem_shared>>
      tpu.enqueue_dma source(%arg9 : memref<128x64xf32, #tpu.memory_space<vmem>>) target(%dma_start3A_93 : memref<128x64xf32, #tpu.memory_space<vmem_shared>>) target_semaphore(%run_scoped3A : memref<!tpu.dma_semaphore, #tpu.memory_space<semaphore_mem>>)
      %dma_wait3A = arith.constant 0 : i32
      %dma_wait3A_94 = tpu.memref_slice %arg15[%add3A_20, %dma_wait3A] : memref<10240x64xf32, #tpu.memory_space<vmem_shared>> -> memref<128x64xf32, #tpu.memory_space<vmem_shared>>
      %dma_wait3A_95 = arith.constant 0 : i32
      %dma_wait3A_96 = tpu.memref_slice %arg15[%add3A_20, %dma_wait3A_95] : memref<10240x64xf32, #tpu.memory_space<vmem_shared>> -> memref<128x64xf32, #tpu.memory_space<vmem_shared>>
      tpu.wait_dma2 semaphore(%run_scoped3A : memref<!tpu.dma_semaphore, #tpu.memory_space<semaphore_mem>>) src(%arg9 : memref<128x64xf32, #tpu.memory_space<vmem>>) dst(%dma_wait3A_96 : memref<128x64xf32, #tpu.memory_space<vmem_shared>>)
      tpu.yield
    }) : () -> ()
    %mul3A_21 = arith.constant 640 : i32
    %mul3A_22 = arith.muli %arg1, %mul3A_21 : i32
    %add3A_23 = arith.constant 384 : i32
    %add3A_24 = arith.addi %mul3A_22, %add3A_23 : i32
    "tpu.region"() ({
      %run_scoped3A = tpu.sem_alloc : memref<!tpu.dma_semaphore, #tpu.memory_space<semaphore_mem>>
      %dma_start3A_90 = arith.constant 0 : i32
      %dma_start3A_91 = tpu.memref_slice %arg15[%add3A_24, %dma_start3A_90] : memref<10240x64xf32, #tpu.memory_space<vmem_shared>> -> memref<128x64xf32, #tpu.memory_space<vmem_shared>>
      %dma_start3A_92 = arith.constant 0 : i32
      %dma_start3A_93 = tpu.memref_slice %arg15[%add3A_24, %dma_start3A_92] : memref<10240x64xf32, #tpu.memory_space<vmem_shared>> -> memref<128x64xf32, #tpu.memory_space<vmem_shared>>
      tpu.enqueue_dma source(%arg9 : memref<128x64xf32, #tpu.memory_space<vmem>>) target(%dma_start3A_93 : memref<128x64xf32, #tpu.memory_space<vmem_shared>>) target_semaphore(%run_scoped3A : memref<!tpu.dma_semaphore, #tpu.memory_space<semaphore_mem>>)
      %dma_wait3A = arith.constant 0 : i32
      %dma_wait3A_94 = tpu.memref_slice %arg15[%add3A_24, %dma_wait3A] : memref<10240x64xf32, #tpu.memory_space<vmem_shared>> -> memref<128x64xf32, #tpu.memory_space<vmem_shared>>
      %dma_wait3A_95 = arith.constant 0 : i32
      %dma_wait3A_96 = tpu.memref_slice %arg15[%add3A_24, %dma_wait3A_95] : memref<10240x64xf32, #tpu.memory_space<vmem_shared>> -> memref<128x64xf32, #tpu.memory_space<vmem_shared>>
      tpu.wait_dma2 semaphore(%run_scoped3A : memref<!tpu.dma_semaphore, #tpu.memory_space<semaphore_mem>>) src(%arg9 : memref<128x64xf32, #tpu.memory_space<vmem>>) dst(%dma_wait3A_96 : memref<128x64xf32, #tpu.memory_space<vmem_shared>>)
      tpu.yield
    }) : () -> ()
    %mul3A_25 = arith.constant 640 : i32
    %mul3A_26 = arith.muli %arg1, %mul3A_25 : i32
    %add3A_27 = arith.constant 512 : i32
    %add3A_28 = arith.addi %mul3A_26, %add3A_27 : i32
    "tpu.region"() ({
      %run_scoped3A = tpu.sem_alloc : memref<!tpu.dma_semaphore, #tpu.memory_space<semaphore_mem>>
      %dma_start3A_90 = arith.constant 0 : i32
      %dma_start3A_91 = tpu.memref_slice %arg15[%add3A_28, %dma_start3A_90] : memref<10240x64xf32, #tpu.memory_space<vmem_shared>> -> memref<128x64xf32, #tpu.memory_space<vmem_shared>>
      %dma_start3A_92 = arith.constant 0 : i32
      %dma_start3A_93 = tpu.memref_slice %arg15[%add3A_28, %dma_start3A_92] : memref<10240x64xf32, #tpu.memory_space<vmem_shared>> -> memref<128x64xf32, #tpu.memory_space<vmem_shared>>
      tpu.enqueue_dma source(%arg9 : memref<128x64xf32, #tpu.memory_space<vmem>>) target(%dma_start3A_93 : memref<128x64xf32, #tpu.memory_space<vmem_shared>>) target_semaphore(%run_scoped3A : memref<!tpu.dma_semaphore, #tpu.memory_space<semaphore_mem>>)
      %dma_wait3A = arith.constant 0 : i32
      %dma_wait3A_94 = tpu.memref_slice %arg15[%add3A_28, %dma_wait3A] : memref<10240x64xf32, #tpu.memory_space<vmem_shared>> -> memref<128x64xf32, #tpu.memory_space<vmem_shared>>
      %dma_wait3A_95 = arith.constant 0 : i32
      %dma_wait3A_96 = tpu.memref_slice %arg15[%add3A_28, %dma_wait3A_95] : memref<10240x64xf32, #tpu.memory_space<vmem_shared>> -> memref<128x64xf32, #tpu.memory_space<vmem_shared>>
      tpu.wait_dma2 semaphore(%run_scoped3A : memref<!tpu.dma_semaphore, #tpu.memory_space<semaphore_mem>>) src(%arg9 : memref<128x64xf32, #tpu.memory_space<vmem>>) dst(%dma_wait3A_96 : memref<128x64xf32, #tpu.memory_space<vmem_shared>>)
      tpu.yield
    }) : () -> ()
    %scan3A_29 = arith.constant 0 : i32
    %scan3A_30 = arith.constant 0 : i32
    %scan3A_31 = arith.constant 128 : i32
    %scan3A_32 = arith.addi %scan3A_30, %scan3A_31 : i32
    %scan3A_33 = arith.constant 1 : i32
    scf.for %scan3A_90 = %scan3A_30 to %scan3A_32 step %scan3A_33  : i32 {
      %broadcast_in_dim3A = arith.constant 0.000000e+00 : f32
      %broadcast_in_dim3A_91 = vector.broadcast %broadcast_in_dim3A : f32 to vector<16xf32>
      %swap3A = arith.index_cast %scan3A_90 : i32 to index
      %swap3A_92 = arith.constant 0 : index
      %swap3A_93 = tpu.vector_load %arg14[%swap3A, %swap3A_92] {strides = array<i32>} : memref<128x16xf32, #tpu.memory_space<vmem>>, vector<1x16xf32>,
      %swap3A_94 = vector.shape_cast %swap3A_93 : vector<1x16xf32> to vector<16xf32>
      %swap3A_95 = vector.shape_cast %broadcast_in_dim3A_91 : vector<16xf32> to vector<1x16xf32>
      tpu.vector_store %arg14[%swap3A, %swap3A_92], %swap3A_95 {strides = array<i32>} : memref<128x16xf32, #tpu.memory_space<vmem>>, vector<1x16xf32>,
      %broadcast_in_dim3A_96 = arith.constant 1.000000e+00 : f32
      %broadcast_in_dim3A_97 = vector.broadcast %broadcast_in_dim3A_96 : f32 to vector<16xf32>
      %swap3A_98 = arith.index_cast %scan3A_90 : i32 to index
      %swap3A_99 = arith.constant 0 : index
      %swap3A_100 = tpu.vector_load %arg13[%swap3A_98, %swap3A_99] {strides = array<i32>} : memref<128x16xf32, #tpu.memory_space<vmem>>, vector<1x16xf32>,
      %swap3A_101 = vector.shape_cast %swap3A_100 : vector<1x16xf32> to vector<16xf32>
      %swap3A_102 = vector.shape_cast %broadcast_in_dim3A_97 : vector<16xf32> to vector<1x16xf32>
      tpu.vector_store %arg13[%swap3A_98, %swap3A_99], %swap3A_102 {strides = array<i32>} : memref<128x16xf32, #tpu.memory_space<vmem>>, vector<1x16xf32>,
    }
    %scan3A_34 = arith.constant 128 : i32
    %mul3A_35 = arith.constant 640 : i32
    %mul3A_36 = arith.muli %arg1, %mul3A_35 : i32
    %add3A_37 = arith.constant 0 : i32
    %add3A_38 = arith.addi %mul3A_36, %add3A_37 : i32
    "tpu.region"() ({
      %run_scoped3A = tpu.sem_alloc : memref<!tpu.dma_semaphore, #tpu.memory_space<semaphore_mem>>
      %dma_start3A_90 = arith.constant 0 : i32
      %dma_start3A_91 = tpu.memref_slice %arg16[%add3A_38, %dma_start3A_90] : memref<10240x16xf32, #tpu.memory_space<vmem_shared>> -> memref<128x16xf32, #tpu.memory_space<vmem_shared>>
      %dma_start3A_92 = arith.constant 0 : i32
      %dma_start3A_93 = tpu.memref_slice %arg16[%add3A_38, %dma_start3A_92] : memref<10240x16xf32, #tpu.memory_space<vmem_shared>> -> memref<128x16xf32, #tpu.memory_space<vmem_shared>>
      tpu.enqueue_dma source(%arg14 : memref<128x16xf32, #tpu.memory_space<vmem>>) target(%dma_start3A_93 : memref<128x16xf32, #tpu.memory_space<vmem_shared>>) target_semaphore(%run_scoped3A : memref<!tpu.dma_semaphore, #tpu.memory_space<semaphore_mem>>)
      %dma_wait3A = arith.constant 0 : i32
      %dma_wait3A_94 = tpu.memref_slice %arg16[%add3A_38, %dma_wait3A] : memref<10240x16xf32, #tpu.memory_space<vmem_shared>> -> memref<128x16xf32, #tpu.memory_space<vmem_shared>>
      %dma_wait3A_95 = arith.constant 0 : i32
      %dma_wait3A_96 = tpu.memref_slice %arg16[%add3A_38, %dma_wait3A_95] : memref<10240x16xf32, #tpu.memory_space<vmem_shared>> -> memref<128x16xf32, #tpu.memory_space<vmem_shared>>
      tpu.wait_dma2 semaphore(%run_scoped3A : memref<!tpu.dma_semaphore, #tpu.memory_space<semaphore_mem>>) src(%arg14 : memref<128x16xf32, #tpu.memory_space<vmem>>) dst(%dma_wait3A_96 : memref<128x16xf32, #tpu.memory_space<vmem_shared>>)
      tpu.yield
    }) : () -> ()
    %mul3A_39 = arith.constant 640 : i32
    %mul3A_40 = arith.muli %arg1, %mul3A_39 : i32
    %add3A_41 = arith.constant 128 : i32
    %add3A_42 = arith.addi %mul3A_40, %add3A_41 : i32
    "tpu.region"() ({
      %run_scoped3A = tpu.sem_alloc : memref<!tpu.dma_semaphore, #tpu.memory_space<semaphore_mem>>
      %dma_start3A_90 = arith.constant 0 : i32
      %dma_start3A_91 = tpu.memref_slice %arg16[%add3A_42, %dma_start3A_90] : memref<10240x16xf32, #tpu.memory_space<vmem_shared>> -> memref<128x16xf32, #tpu.memory_space<vmem_shared>>
      %dma_start3A_92 = arith.constant 0 : i32
      %dma_start3A_93 = tpu.memref_slice %arg16[%add3A_42, %dma_start3A_92] : memref<10240x16xf32, #tpu.memory_space<vmem_shared>> -> memref<128x16xf32, #tpu.memory_space<vmem_shared>>
      tpu.enqueue_dma source(%arg14 : memref<128x16xf32, #tpu.memory_space<vmem>>) target(%dma_start3A_93 : memref<128x16xf32, #tpu.memory_space<vmem_shared>>) target_semaphore(%run_scoped3A : memref<!tpu.dma_semaphore, #tpu.memory_space<semaphore_mem>>)
      %dma_wait3A = arith.constant 0 : i32
      %dma_wait3A_94 = tpu.memref_slice %arg16[%add3A_42, %dma_wait3A] : memref<10240x16xf32, #tpu.memory_space<vmem_shared>> -> memref<128x16xf32, #tpu.memory_space<vmem_shared>>
      %dma_wait3A_95 = arith.constant 0 : i32
      %dma_wait3A_96 = tpu.memref_slice %arg16[%add3A_42, %dma_wait3A_95] : memref<10240x16xf32, #tpu.memory_space<vmem_shared>> -> memref<128x16xf32, #tpu.memory_space<vmem_shared>>
      tpu.wait_dma2 semaphore(%run_scoped3A : memref<!tpu.dma_semaphore, #tpu.memory_space<semaphore_mem>>) src(%arg14 : memref<128x16xf32, #tpu.memory_space<vmem>>) dst(%dma_wait3A_96 : memref<128x16xf32, #tpu.memory_space<vmem_shared>>)
      tpu.yield
    }) : () -> ()
    %mul3A_43 = arith.constant 640 : i32
    %mul3A_44 = arith.muli %arg1, %mul3A_43 : i32
    %add3A_45 = arith.constant 256 : i32
    %add3A_46 = arith.addi %mul3A_44, %add3A_45 : i32
    "tpu.region"() ({
      %run_scoped3A = tpu.sem_alloc : memref<!tpu.dma_semaphore, #tpu.memory_space<semaphore_mem>>
      %dma_start3A_90 = arith.constant 0 : i32
      %dma_start3A_91 = tpu.memref_slice %arg16[%add3A_46, %dma_start3A_90] : memref<10240x16xf32, #tpu.memory_space<vmem_shared>> -> memref<128x16xf32, #tpu.memory_space<vmem_shared>>
      %dma_start3A_92 = arith.constant 0 : i32
      %dma_start3A_93 = tpu.memref_slice %arg16[%add3A_46, %dma_start3A_92] : memref<10240x16xf32, #tpu.memory_space<vmem_shared>> -> memref<128x16xf32, #tpu.memory_space<vmem_shared>>
      tpu.enqueue_dma source(%arg14 : memref<128x16xf32, #tpu.memory_space<vmem>>) target(%dma_start3A_93 : memref<128x16xf32, #tpu.memory_space<vmem_shared>>) target_semaphore(%run_scoped3A : memref<!tpu.dma_semaphore, #tpu.memory_space<semaphore_mem>>)
      %dma_wait3A = arith.constant 0 : i32
      %dma_wait3A_94 = tpu.memref_slice %arg16[%add3A_46, %dma_wait3A] : memref<10240x16xf32, #tpu.memory_space<vmem_shared>> -> memref<128x16xf32, #tpu.memory_space<vmem_shared>>
      %dma_wait3A_95 = arith.constant 0 : i32
      %dma_wait3A_96 = tpu.memref_slice %arg16[%add3A_46, %dma_wait3A_95] : memref<10240x16xf32, #tpu.memory_space<vmem_shared>> -> memref<128x16xf32, #tpu.memory_space<vmem_shared>>
      tpu.wait_dma2 semaphore(%run_scoped3A : memref<!tpu.dma_semaphore, #tpu.memory_space<semaphore_mem>>) src(%arg14 : memref<128x16xf32, #tpu.memory_space<vmem>>) dst(%dma_wait3A_96 : memref<128x16xf32, #tpu.memory_space<vmem_shared>>)
      tpu.yield
    }) : () -> ()
    %mul3A_47 = arith.constant 640 : i32
    %mul3A_48 = arith.muli %arg1, %mul3A_47 : i32
    %add3A_49 = arith.constant 384 : i32
    %add3A_50 = arith.addi %mul3A_48, %add3A_49 : i32
    "tpu.region"() ({
      %run_scoped3A = tpu.sem_alloc : memref<!tpu.dma_semaphore, #tpu.memory_space<semaphore_mem>>
      %dma_start3A_90 = arith.constant 0 : i32
      %dma_start3A_91 = tpu.memref_slice %arg16[%add3A_50, %dma_start3A_90] : memref<10240x16xf32, #tpu.memory_space<vmem_shared>> -> memref<128x16xf32, #tpu.memory_space<vmem_shared>>
      %dma_start3A_92 = arith.constant 0 : i32
      %dma_start3A_93 = tpu.memref_slice %arg16[%add3A_50, %dma_start3A_92] : memref<10240x16xf32, #tpu.memory_space<vmem_shared>> -> memref<128x16xf32, #tpu.memory_space<vmem_shared>>
      tpu.enqueue_dma source(%arg14 : memref<128x16xf32, #tpu.memory_space<vmem>>) target(%dma_start3A_93 : memref<128x16xf32, #tpu.memory_space<vmem_shared>>) target_semaphore(%run_scoped3A : memref<!tpu.dma_semaphore, #tpu.memory_space<semaphore_mem>>)
      %dma_wait3A = arith.constant 0 : i32
      %dma_wait3A_94 = tpu.memref_slice %arg16[%add3A_50, %dma_wait3A] : memref<10240x16xf32, #tpu.memory_space<vmem_shared>> -> memref<128x16xf32, #tpu.memory_space<vmem_shared>>
      %dma_wait3A_95 = arith.constant 0 : i32
      %dma_wait3A_96 = tpu.memref_slice %arg16[%add3A_50, %dma_wait3A_95] : memref<10240x16xf32, #tpu.memory_space<vmem_shared>> -> memref<128x16xf32, #tpu.memory_space<vmem_shared>>
      tpu.wait_dma2 semaphore(%run_scoped3A : memref<!tpu.dma_semaphore, #tpu.memory_space<semaphore_mem>>) src(%arg14 : memref<128x16xf32, #tpu.memory_space<vmem>>) dst(%dma_wait3A_96 : memref<128x16xf32, #tpu.memory_space<vmem_shared>>)
      tpu.yield
    }) : () -> ()
    %mul3A_51 = arith.constant 640 : i32
    %mul3A_52 = arith.muli %arg1, %mul3A_51 : i32
    %add3A_53 = arith.constant 512 : i32
    %add3A_54 = arith.addi %mul3A_52, %add3A_53 : i32
    "tpu.region"() ({
      %run_scoped3A = tpu.sem_alloc : memref<!tpu.dma_semaphore, #tpu.memory_space<semaphore_mem>>
      %dma_start3A_90 = arith.constant 0 : i32
      %dma_start3A_91 = tpu.memref_slice %arg16[%add3A_54, %dma_start3A_90] : memref<10240x16xf32, #tpu.memory_space<vmem_shared>> -> memref<128x16xf32, #tpu.memory_space<vmem_shared>>
      %dma_start3A_92 = arith.constant 0 : i32
      %dma_start3A_93 = tpu.memref_slice %arg16[%add3A_54, %dma_start3A_92] : memref<10240x16xf32, #tpu.memory_space<vmem_shared>> -> memref<128x16xf32, #tpu.memory_space<vmem_shared>>
      tpu.enqueue_dma source(%arg14 : memref<128x16xf32, #tpu.memory_space<vmem>>) target(%dma_start3A_93 : memref<128x16xf32, #tpu.memory_space<vmem_shared>>) target_semaphore(%run_scoped3A : memref<!tpu.dma_semaphore, #tpu.memory_space<semaphore_mem>>)
      %dma_wait3A = arith.constant 0 : i32
      %dma_wait3A_94 = tpu.memref_slice %arg16[%add3A_54, %dma_wait3A] : memref<10240x16xf32, #tpu.memory_space<vmem_shared>> -> memref<128x16xf32, #tpu.memory_space<vmem_shared>>
      %dma_wait3A_95 = arith.constant 0 : i32
      %dma_wait3A_96 = tpu.memref_slice %arg16[%add3A_54, %dma_wait3A_95] : memref<10240x16xf32, #tpu.memory_space<vmem_shared>> -> memref<128x16xf32, #tpu.memory_space<vmem_shared>>
      tpu.wait_dma2 semaphore(%run_scoped3A : memref<!tpu.dma_semaphore, #tpu.memory_space<semaphore_mem>>) src(%arg14 : memref<128x16xf32, #tpu.memory_space<vmem>>) dst(%dma_wait3A_96 : memref<128x16xf32, #tpu.memory_space<vmem_shared>>)
      tpu.yield
    }) : () -> ()
    %dma_start3A = arith.constant 0 : i32
    %dma_start3A_55 = arith.constant 0 : i32
    %dma_start3A_56 = tpu.memref_slice %arg7[%dma_start3A, %dma_start3A_55] : memref<157x128xi32, #tpu.memory_space<vmem>> -> memref<1x128xi32, #tpu.memory_space<vmem>>
    %dma_start3A_57 = tpu.memref_squeeze %dma_start3A_56 : memref<1x128xi32, #tpu.memory_space<vmem>> -> memref<128xi32, #tpu.memory_space<vmem>>
    %dma_start3A_58 = arith.constant 0 : i32
    %dma_start3A_59 = arith.constant 0 : i32
    %dma_start3A_60 = tpu.memref_slice %arg2[%dma_start3A_58, %dma_start3A_59] : memref<20000x64xf32, #tpu.memory_space<hbm>> -> memref<20000x64xf32, #tpu.memory_space<hbm>>
    tpu.enqueue_indirect_dma source(%dma_start3A_60 : memref<20000x64xf32, #tpu.memory_space<hbm>>) target(%arg9 : memref<128x64xf32, #tpu.memory_space<vmem>>) offsets(%dma_start3A_57 : memref<128xi32, #tpu.memory_space<vmem>>) semaphore(%arg17 : memref<!tpu.dma_semaphore, #tpu.memory_space<semaphore_mem>>)
    %dma_start3A_61 = arith.constant 1 : i32
    %dma_start3A_62 = arith.constant 0 : i32
    %dma_start3A_63 = tpu.memref_slice %arg7[%dma_start3A_61, %dma_start3A_62] : memref<157x128xi32, #tpu.memory_space<vmem>> -> memref<1x128xi32, #tpu.memory_space<vmem>>
    %dma_start3A_64 = tpu.memref_squeeze %dma_start3A_63 : memref<1x128xi32, #tpu.memory_space<vmem>> -> memref<128xi32, #tpu.memory_space<vmem>>
    %dma_start3A_65 = arith.constant 0 : i32
    %dma_start3A_66 = arith.constant 0 : i32
    %dma_start3A_67 = tpu.memref_slice %arg2[%dma_start3A_65, %dma_start3A_66] : memref<20000x64xf32, #tpu.memory_space<hbm>> -> memref<20000x64xf32, #tpu.memory_space<hbm>>
    tpu.enqueue_indirect_dma source(%dma_start3A_67 : memref<20000x64xf32, #tpu.memory_space<hbm>>) target(%arg10 : memref<128x64xf32, #tpu.memory_space<vmem>>) offsets(%dma_start3A_64 : memref<128xi32, #tpu.memory_space<vmem>>) semaphore(%arg18 : memref<!tpu.dma_semaphore, #tpu.memory_space<semaphore_mem>>)
    %dma_start3A_68 = arith.constant 2 : i32
    %dma_start3A_69 = arith.constant 0 : i32
    %dma_start3A_70 = tpu.memref_slice %arg7[%dma_start3A_68, %dma_start3A_69] : memref<157x128xi32, #tpu.memory_space<vmem>> -> memref<1x128xi32, #tpu.memory_space<vmem>>
    %dma_start3A_71 = tpu.memref_squeeze %dma_start3A_70 : memref<1x128xi32, #tpu.memory_space<vmem>> -> memref<128xi32, #tpu.memory_space<vmem>>
    %dma_start3A_72 = arith.constant 0 : i32
    %dma_start3A_73 = arith.constant 0 : i32
    %dma_start3A_74 = tpu.memref_slice %arg2[%dma_start3A_72, %dma_start3A_73] : memref<20000x64xf32, #tpu.memory_space<hbm>> -> memref<20000x64xf32, #tpu.memory_space<hbm>>
    tpu.enqueue_indirect_dma source(%dma_start3A_74 : memref<20000x64xf32, #tpu.memory_space<hbm>>) target(%arg11 : memref<128x64xf32, #tpu.memory_space<vmem>>) offsets(%dma_start3A_71 : memref<128xi32, #tpu.memory_space<vmem>>) semaphore(%arg19 : memref<!tpu.dma_semaphore, #tpu.memory_space<semaphore_mem>>)
    %barrier3A = arith.constant 0 : index
    tpu.barrier barrier_id(%barrier3A)
    %scan3A_75 = arith.constant 0 : i32
    %scan3A_76 = arith.constant 0 : i32
    %scan3A_77 = arith.constant 157 : i32
    %scan3A_78 = arith.addi %scan3A_76, %scan3A_77 : i32
    %scan3A_79 = arith.constant 1 : i32
    scf.for %scan3A_90 = %scan3A_76 to %scan3A_78 step %scan3A_79  : i32 {
      %rem3A = arith.constant 4 : i32
      %rem3A_91 = arith.remsi %scan3A_90, %rem3A : i32
      %eq3A = arith.constant 0 : i32
      %eq3A_92 = arith.cmpi eq, %rem3A_91, %eq3A : i32
      %convert_element_type3A = arith.extui %eq3A_92 : i1 to i32
      %cond3A = arith.constant 0 : i32
      %cond3A_93 = arith.cmpi ne, %convert_element_type3A, %cond3A : i32
      scf.if %cond3A_93 {
        %dma_wait3A = arith.constant 0 : i32
        %dma_wait3A_121 = tpu.memref_slice %arg7[%scan3A_90, %dma_wait3A] : memref<157x128xi32, #tpu.memory_space<vmem>> -> memref<1x128xi32, #tpu.memory_space<vmem>>
        %dma_wait3A_122 = tpu.memref_squeeze %dma_wait3A_121 : memref<1x128xi32, #tpu.memory_space<vmem>> -> memref<128xi32, #tpu.memory_space<vmem>>
        %dma_wait3A_123 = arith.constant 0 : i32
        %dma_wait3A_124 = arith.constant 0 : i32
        %dma_wait3A_125 = tpu.memref_slice %arg2[%dma_wait3A_123, %dma_wait3A_124] : memref<20000x64xf32, #tpu.memory_space<hbm>> -> memref<20000x64xf32, #tpu.memory_space<hbm>>
        tpu.wait_indirect_dma semaphore(%arg17 : memref<!tpu.dma_semaphore, #tpu.memory_space<semaphore_mem>>) src(%dma_wait3A_125 : memref<20000x64xf32, #tpu.memory_space<hbm>>) dst(%arg9 : memref<128x64xf32, #tpu.memory_space<vmem>>)
        %add3A_126 = arith.constant 4 : i32
        %add3A_127 = arith.addi %scan3A_90, %add3A_126 : i32
        %sub3A = arith.constant 1 : i32
        %sub3A_128 = arith.subi %add3A_127, %sub3A : i32
        %lt3A = arith.constant 157 : i32
        %lt3A_129 = arith.cmpi slt, %sub3A_128, %lt3A : i32
        %convert_element_type3A_130 = arith.extui %lt3A_129 : i1 to i32
        %cond3A_131 = arith.constant 0 : i32
        %cond3A_132 = arith.cmpi ne, %convert_element_type3A_130, %cond3A_131 : i32
        scf.if %cond3A_132 {
          %dma_start3A_133 = arith.constant 0 : i32
          %dma_start3A_134 = tpu.memref_slice %arg7[%sub3A_128, %dma_start3A_133] : memref<157x128xi32, #tpu.memory_space<vmem>> -> memref<1x128xi32, #tpu.memory_space<vmem>>
          %dma_start3A_135 = tpu.memref_squeeze %dma_start3A_134 : memref<1x128xi32, #tpu.memory_space<vmem>> -> memref<128xi32, #tpu.memory_space<vmem>>
          %dma_start3A_136 = arith.constant 0 : i32
          %dma_start3A_137 = arith.constant 0 : i32
          %dma_start3A_138 = tpu.memref_slice %arg2[%dma_start3A_136, %dma_start3A_137] : memref<20000x64xf32, #tpu.memory_space<hbm>> -> memref<20000x64xf32, #tpu.memory_space<hbm>>
          tpu.enqueue_indirect_dma source(%dma_start3A_138 : memref<20000x64xf32, #tpu.memory_space<hbm>>) target(%arg12 : memref<128x64xf32, #tpu.memory_space<vmem>>) offsets(%dma_start3A_135 : memref<128xi32, #tpu.memory_space<vmem>>) semaphore(%arg20 : memref<!tpu.dma_semaphore, #tpu.memory_space<semaphore_mem>>)
        } else {
        }
        "tpu.region"() ({
          %run_scoped3A = tpu.sem_alloc : memref<!tpu.dma_semaphore, #tpu.memory_space<semaphore_mem>>
          %dma_start3A_133 = arith.constant 0 : i32
          %dma_start3A_134 = tpu.memref_slice %arg8[%scan3A_90, %dma_start3A_133] : memref<157x128xi32, #tpu.memory_space<vmem>> -> memref<1x128xi32, #tpu.memory_space<vmem>>
          %dma_start3A_135 = tpu.memref_squeeze %dma_start3A_134 : memref<1x128xi32, #tpu.memory_space<vmem>> -> memref<128xi32, #tpu.memory_space<vmem>>
          %dma_start3A_136 = arith.constant 0 : i32
          %dma_start3A_137 = arith.constant 0 : i32
          %dma_start3A_138 = tpu.memref_slice %arg15[%dma_start3A_136, %dma_start3A_137] : memref<10240x64xf32, #tpu.memory_space<vmem_shared>> -> memref<10240x64xf32, #tpu.memory_space<vmem_shared>>
          tpu.enqueue_indirect_dma source(%arg9 : memref<128x64xf32, #tpu.memory_space<vmem>>) target(%dma_start3A_138 : memref<10240x64xf32, #tpu.memory_space<vmem_shared>>) offsets(%dma_start3A_135 : memref<128xi32, #tpu.memory_space<vmem>>) semaphore(%run_scoped3A : memref<!tpu.dma_semaphore, #tpu.memory_space<semaphore_mem>>) {add = true}
          %dma_wait3A_139 = arith.constant 0 : i32
          %dma_wait3A_140 = tpu.memref_slice %arg8[%scan3A_90, %dma_wait3A_139] : memref<157x128xi32, #tpu.memory_space<vmem>> -> memref<1x128xi32, #tpu.memory_space<vmem>>
          %dma_wait3A_141 = tpu.memref_squeeze %dma_wait3A_140 : memref<1x128xi32, #tpu.memory_space<vmem>> -> memref<128xi32, #tpu.memory_space<vmem>>
          %dma_wait3A_142 = arith.constant 0 : i32
          %dma_wait3A_143 = arith.constant 0 : i32
          %dma_wait3A_144 = tpu.memref_slice %arg15[%dma_wait3A_142, %dma_wait3A_143] : memref<10240x64xf32, #tpu.memory_space<vmem_shared>> -> memref<10240x64xf32, #tpu.memory_space<vmem_shared>>
          tpu.wait_indirect_dma semaphore(%run_scoped3A : memref<!tpu.dma_semaphore, #tpu.memory_space<semaphore_mem>>) src(%arg9 : memref<128x64xf32, #tpu.memory_space<vmem>>) dst(%dma_wait3A_144 : memref<10240x64xf32, #tpu.memory_space<vmem_shared>>)
          tpu.yield
        }) : () -> ()
      } else {
      }
      %rem3A_94 = arith.constant 4 : i32
      %rem3A_95 = arith.remsi %scan3A_90, %rem3A_94 : i32
      %eq3A_96 = arith.constant 1 : i32
      %eq3A_97 = arith.cmpi eq, %rem3A_95, %eq3A_96 : i32
      %convert_element_type3A_98 = arith.extui %eq3A_97 : i1 to i32
      %cond3A_99 = arith.constant 0 : i32
      %cond3A_100 = arith.cmpi ne, %convert_element_type3A_98, %cond3A_99 : i32
      scf.if %cond3A_100 {
        %dma_wait3A = arith.constant 0 : i32
        %dma_wait3A_121 = tpu.memref_slice %arg7[%scan3A_90, %dma_wait3A] : memref<157x128xi32, #tpu.memory_space<vmem>> -> memref<1x128xi32, #tpu.memory_space<vmem>>
        %dma_wait3A_122 = tpu.memref_squeeze %dma_wait3A_121 : memref<1x128xi32, #tpu.memory_space<vmem>> -> memref<128xi32, #tpu.memory_space<vmem>>
        %dma_wait3A_123 = arith.constant 0 : i32
        %dma_wait3A_124 = arith.constant 0 : i32
        %dma_wait3A_125 = tpu.memref_slice %arg2[%dma_wait3A_123, %dma_wait3A_124] : memref<20000x64xf32, #tpu.memory_space<hbm>> -> memref<20000x64xf32, #tpu.memory_space<hbm>>
        tpu.wait_indirect_dma semaphore(%arg18 : memref<!tpu.dma_semaphore, #tpu.memory_space<semaphore_mem>>) src(%dma_wait3A_125 : memref<20000x64xf32, #tpu.memory_space<hbm>>) dst(%arg10 : memref<128x64xf32, #tpu.memory_space<vmem>>)
        %add3A_126 = arith.constant 4 : i32
        %add3A_127 = arith.addi %scan3A_90, %add3A_126 : i32
        %sub3A = arith.constant 1 : i32
        %sub3A_128 = arith.subi %add3A_127, %sub3A : i32
        %lt3A = arith.constant 157 : i32
        %lt3A_129 = arith.cmpi slt, %sub3A_128, %lt3A : i32
        %convert_element_type3A_130 = arith.extui %lt3A_129 : i1 to i32
        %cond3A_131 = arith.constant 0 : i32
        %cond3A_132 = arith.cmpi ne, %convert_element_type3A_130, %cond3A_131 : i32
        scf.if %cond3A_132 {
          %dma_start3A_133 = arith.constant 0 : i32
          %dma_start3A_134 = tpu.memref_slice %arg7[%sub3A_128, %dma_start3A_133] : memref<157x128xi32, #tpu.memory_space<vmem>> -> memref<1x128xi32, #tpu.memory_space<vmem>>
          %dma_start3A_135 = tpu.memref_squeeze %dma_start3A_134 : memref<1x128xi32, #tpu.memory_space<vmem>> -> memref<128xi32, #tpu.memory_space<vmem>>
          %dma_start3A_136 = arith.constant 0 : i32
          %dma_start3A_137 = arith.constant 0 : i32
          %dma_start3A_138 = tpu.memref_slice %arg2[%dma_start3A_136, %dma_start3A_137] : memref<20000x64xf32, #tpu.memory_space<hbm>> -> memref<20000x64xf32, #tpu.memory_space<hbm>>
          tpu.enqueue_indirect_dma source(%dma_start3A_138 : memref<20000x64xf32, #tpu.memory_space<hbm>>) target(%arg9 : memref<128x64xf32, #tpu.memory_space<vmem>>) offsets(%dma_start3A_135 : memref<128xi32, #tpu.memory_space<vmem>>) semaphore(%arg17 : memref<!tpu.dma_semaphore, #tpu.memory_space<semaphore_mem>>)
        } else {
        }
        "tpu.region"() ({
          %run_scoped3A = tpu.sem_alloc : memref<!tpu.dma_semaphore, #tpu.memory_space<semaphore_mem>>
          %dma_start3A_133 = arith.constant 0 : i32
          %dma_start3A_134 = tpu.memref_slice %arg8[%scan3A_90, %dma_start3A_133] : memref<157x128xi32, #tpu.memory_space<vmem>> -> memref<1x128xi32, #tpu.memory_space<vmem>>
          %dma_start3A_135 = tpu.memref_squeeze %dma_start3A_134 : memref<1x128xi32, #tpu.memory_space<vmem>> -> memref<128xi32, #tpu.memory_space<vmem>>
          %dma_start3A_136 = arith.constant 0 : i32
          %dma_start3A_137 = arith.constant 0 : i32
          %dma_start3A_138 = tpu.memref_slice %arg15[%dma_start3A_136, %dma_start3A_137] : memref<10240x64xf32, #tpu.memory_space<vmem_shared>> -> memref<10240x64xf32, #tpu.memory_space<vmem_shared>>
          tpu.enqueue_indirect_dma source(%arg10 : memref<128x64xf32, #tpu.memory_space<vmem>>) target(%dma_start3A_138 : memref<10240x64xf32, #tpu.memory_space<vmem_shared>>) offsets(%dma_start3A_135 : memref<128xi32, #tpu.memory_space<vmem>>) semaphore(%run_scoped3A : memref<!tpu.dma_semaphore, #tpu.memory_space<semaphore_mem>>) {add = true}
          %dma_wait3A_139 = arith.constant 0 : i32
          %dma_wait3A_140 = tpu.memref_slice %arg8[%scan3A_90, %dma_wait3A_139] : memref<157x128xi32, #tpu.memory_space<vmem>> -> memref<1x128xi32, #tpu.memory_space<vmem>>
          %dma_wait3A_141 = tpu.memref_squeeze %dma_wait3A_140 : memref<1x128xi32, #tpu.memory_space<vmem>> -> memref<128xi32, #tpu.memory_space<vmem>>
          %dma_wait3A_142 = arith.constant 0 : i32
          %dma_wait3A_143 = arith.constant 0 : i32
          %dma_wait3A_144 = tpu.memref_slice %arg15[%dma_wait3A_142, %dma_wait3A_143] : memref<10240x64xf32, #tpu.memory_space<vmem_shared>> -> memref<10240x64xf32, #tpu.memory_space<vmem_shared>>
          tpu.wait_indirect_dma semaphore(%run_scoped3A : memref<!tpu.dma_semaphore, #tpu.memory_space<semaphore_mem>>) src(%arg10 : memref<128x64xf32, #tpu.memory_space<vmem>>) dst(%dma_wait3A_144 : memref<10240x64xf32, #tpu.memory_space<vmem_shared>>)
          tpu.yield
        }) : () -> ()
      } else {
      }
      %rem3A_101 = arith.constant 4 : i32
      %rem3A_102 = arith.remsi %scan3A_90, %rem3A_101 : i32
      %eq3A_103 = arith.constant 2 : i32
      %eq3A_104 = arith.cmpi eq, %rem3A_102, %eq3A_103 : i32
      %convert_element_type3A_105 = arith.extui %eq3A_104 : i1 to i32
      %cond3A_106 = arith.constant 0 : i32
      %cond3A_107 = arith.cmpi ne, %convert_element_type3A_105, %cond3A_106 : i32
      scf.if %cond3A_107 {
        %dma_wait3A = arith.constant 0 : i32
        %dma_wait3A_121 = tpu.memref_slice %arg7[%scan3A_90, %dma_wait3A] : memref<157x128xi32, #tpu.memory_space<vmem>> -> memref<1x128xi32, #tpu.memory_space<vmem>>
        %dma_wait3A_122 = tpu.memref_squeeze %dma_wait3A_121 : memref<1x128xi32, #tpu.memory_space<vmem>> -> memref<128xi32, #tpu.memory_space<vmem>>
        %dma_wait3A_123 = arith.constant 0 : i32
        %dma_wait3A_124 = arith.constant 0 : i32
        %dma_wait3A_125 = tpu.memref_slice %arg2[%dma_wait3A_123, %dma_wait3A_124] : memref<20000x64xf32, #tpu.memory_space<hbm>> -> memref<20000x64xf32, #tpu.memory_space<hbm>>
        tpu.wait_indirect_dma semaphore(%arg19 : memref<!tpu.dma_semaphore, #tpu.memory_space<semaphore_mem>>) src(%dma_wait3A_125 : memref<20000x64xf32, #tpu.memory_space<hbm>>) dst(%arg11 : memref<128x64xf32, #tpu.memory_space<vmem>>)
        %add3A_126 = arith.constant 4 : i32
        %add3A_127 = arith.addi %scan3A_90, %add3A_126 : i32
        %sub3A = arith.constant 1 : i32
        %sub3A_128 = arith.subi %add3A_127, %sub3A : i32
        %lt3A = arith.constant 157 : i32
        %lt3A_129 = arith.cmpi slt, %sub3A_128, %lt3A : i32
        %convert_element_type3A_130 = arith.extui %lt3A_129 : i1 to i32
        %cond3A_131 = arith.constant 0 : i32
        %cond3A_132 = arith.cmpi ne, %convert_element_type3A_130, %cond3A_131 : i32
        scf.if %cond3A_132 {
          %dma_start3A_133 = arith.constant 0 : i32
          %dma_start3A_134 = tpu.memref_slice %arg7[%sub3A_128, %dma_start3A_133] : memref<157x128xi32, #tpu.memory_space<vmem>> -> memref<1x128xi32, #tpu.memory_space<vmem>>
          %dma_start3A_135 = tpu.memref_squeeze %dma_start3A_134 : memref<1x128xi32, #tpu.memory_space<vmem>> -> memref<128xi32, #tpu.memory_space<vmem>>
          %dma_start3A_136 = arith.constant 0 : i32
          %dma_start3A_137 = arith.constant 0 : i32
          %dma_start3A_138 = tpu.memref_slice %arg2[%dma_start3A_136, %dma_start3A_137] : memref<20000x64xf32, #tpu.memory_space<hbm>> -> memref<20000x64xf32, #tpu.memory_space<hbm>>
          tpu.enqueue_indirect_dma source(%dma_start3A_138 : memref<20000x64xf32, #tpu.memory_space<hbm>>) target(%arg10 : memref<128x64xf32, #tpu.memory_space<vmem>>) offsets(%dma_start3A_135 : memref<128xi32, #tpu.memory_space<vmem>>) semaphore(%arg18 : memref<!tpu.dma_semaphore, #tpu.memory_space<semaphore_mem>>)
        } else {
        }
        "tpu.region"() ({
          %run_scoped3A = tpu.sem_alloc : memref<!tpu.dma_semaphore, #tpu.memory_space<semaphore_mem>>
          %dma_start3A_133 = arith.constant 0 : i32
          %dma_start3A_134 = tpu.memref_slice %arg8[%scan3A_90, %dma_start3A_133] : memref<157x128xi32, #tpu.memory_space<vmem>> -> memref<1x128xi32, #tpu.memory_space<vmem>>
          %dma_start3A_135 = tpu.memref_squeeze %dma_start3A_134 : memref<1x128xi32, #tpu.memory_space<vmem>> -> memref<128xi32, #tpu.memory_space<vmem>>
          %dma_start3A_136 = arith.constant 0 : i32
          %dma_start3A_137 = arith.constant 0 : i32
          %dma_start3A_138 = tpu.memref_slice %arg15[%dma_start3A_136, %dma_start3A_137] : memref<10240x64xf32, #tpu.memory_space<vmem_shared>> -> memref<10240x64xf32, #tpu.memory_space<vmem_shared>>
          tpu.enqueue_indirect_dma source(%arg11 : memref<128x64xf32, #tpu.memory_space<vmem>>) target(%dma_start3A_138 : memref<10240x64xf32, #tpu.memory_space<vmem_shared>>) offsets(%dma_start3A_135 : memref<128xi32, #tpu.memory_space<vmem>>) semaphore(%run_scoped3A : memref<!tpu.dma_semaphore, #tpu.memory_space<semaphore_mem>>) {add = true}
          %dma_wait3A_139 = arith.constant 0 : i32
          %dma_wait3A_140 = tpu.memref_slice %arg8[%scan3A_90, %dma_wait3A_139] : memref<157x128xi32, #tpu.memory_space<vmem>> -> memref<1x128xi32, #tpu.memory_space<vmem>>
          %dma_wait3A_141 = tpu.memref_squeeze %dma_wait3A_140 : memref<1x128xi32, #tpu.memory_space<vmem>> -> memref<128xi32, #tpu.memory_space<vmem>>
          %dma_wait3A_142 = arith.constant 0 : i32
          %dma_wait3A_143 = arith.constant 0 : i32
          %dma_wait3A_144 = tpu.memref_slice %arg15[%dma_wait3A_142, %dma_wait3A_143] : memref<10240x64xf32, #tpu.memory_space<vmem_shared>> -> memref<10240x64xf32, #tpu.memory_space<vmem_shared>>
          tpu.wait_indirect_dma semaphore(%run_scoped3A : memref<!tpu.dma_semaphore, #tpu.memory_space<semaphore_mem>>) src(%arg11 : memref<128x64xf32, #tpu.memory_space<vmem>>) dst(%dma_wait3A_144 : memref<10240x64xf32, #tpu.memory_space<vmem_shared>>)
          tpu.yield
        }) : () -> ()
      } else {
      }
      %rem3A_108 = arith.constant 4 : i32
      %rem3A_109 = arith.remsi %scan3A_90, %rem3A_108 : i32
      %eq3A_110 = arith.constant 3 : i32
      %eq3A_111 = arith.cmpi eq, %rem3A_109, %eq3A_110 : i32
      %convert_element_type3A_112 = arith.extui %eq3A_111 : i1 to i32
      %cond3A_113 = arith.constant 0 : i32
      %cond3A_114 = arith.cmpi ne, %convert_element_type3A_112, %cond3A_113 : i32
      scf.if %cond3A_114 {
        %dma_wait3A = arith.constant 0 : i32
        %dma_wait3A_121 = tpu.memref_slice %arg7[%scan3A_90, %dma_wait3A] : memref<157x128xi32, #tpu.memory_space<vmem>> -> memref<1x128xi32, #tpu.memory_space<vmem>>
        %dma_wait3A_122 = tpu.memref_squeeze %dma_wait3A_121 : memref<1x128xi32, #tpu.memory_space<vmem>> -> memref<128xi32, #tpu.memory_space<vmem>>
        %dma_wait3A_123 = arith.constant 0 : i32
        %dma_wait3A_124 = arith.constant 0 : i32
        %dma_wait3A_125 = tpu.memref_slice %arg2[%dma_wait3A_123, %dma_wait3A_124] : memref<20000x64xf32, #tpu.memory_space<hbm>> -> memref<20000x64xf32, #tpu.memory_space<hbm>>
        tpu.wait_indirect_dma semaphore(%arg20 : memref<!tpu.dma_semaphore, #tpu.memory_space<semaphore_mem>>) src(%dma_wait3A_125 : memref<20000x64xf32, #tpu.memory_space<hbm>>) dst(%arg12 : memref<128x64xf32, #tpu.memory_space<vmem>>)
        %add3A_126 = arith.constant 4 : i32
        %add3A_127 = arith.addi %scan3A_90, %add3A_126 : i32
        %sub3A = arith.constant 1 : i32
        %sub3A_128 = arith.subi %add3A_127, %sub3A : i32
        %lt3A = arith.constant 157 : i32
        %lt3A_129 = arith.cmpi slt, %sub3A_128, %lt3A : i32
        %convert_element_type3A_130 = arith.extui %lt3A_129 : i1 to i32
        %cond3A_131 = arith.constant 0 : i32
        %cond3A_132 = arith.cmpi ne, %convert_element_type3A_130, %cond3A_131 : i32
        scf.if %cond3A_132 {
          %dma_start3A_133 = arith.constant 0 : i32
          %dma_start3A_134 = tpu.memref_slice %arg7[%sub3A_128, %dma_start3A_133] : memref<157x128xi32, #tpu.memory_space<vmem>> -> memref<1x128xi32, #tpu.memory_space<vmem>>
          %dma_start3A_135 = tpu.memref_squeeze %dma_start3A_134 : memref<1x128xi32, #tpu.memory_space<vmem>> -> memref<128xi32, #tpu.memory_space<vmem>>
          %dma_start3A_136 = arith.constant 0 : i32
          %dma_start3A_137 = arith.constant 0 : i32
          %dma_start3A_138 = tpu.memref_slice %arg2[%dma_start3A_136, %dma_start3A_137] : memref<20000x64xf32, #tpu.memory_space<hbm>> -> memref<20000x64xf32, #tpu.memory_space<hbm>>
          tpu.enqueue_indirect_dma source(%dma_start3A_138 : memref<20000x64xf32, #tpu.memory_space<hbm>>) target(%arg11 : memref<128x64xf32, #tpu.memory_space<vmem>>) offsets(%dma_start3A_135 : memref<128xi32, #tpu.memory_space<vmem>>) semaphore(%arg19 : memref<!tpu.dma_semaphore, #tpu.memory_space<semaphore_mem>>)
        } else {
        }
        "tpu.region"() ({
          %run_scoped3A = tpu.sem_alloc : memref<!tpu.dma_semaphore, #tpu.memory_space<semaphore_mem>>
          %dma_start3A_133 = arith.constant 0 : i32
          %dma_start3A_134 = tpu.memref_slice %arg8[%scan3A_90, %dma_start3A_133] : memref<157x128xi32, #tpu.memory_space<vmem>> -> memref<1x128xi32, #tpu.memory_space<vmem>>
          %dma_start3A_135 = tpu.memref_squeeze %dma_start3A_134 : memref<1x128xi32, #tpu.memory_space<vmem>> -> memref<128xi32, #tpu.memory_space<vmem>>
          %dma_start3A_136 = arith.constant 0 : i32
          %dma_start3A_137 = arith.constant 0 : i32
          %dma_start3A_138 = tpu.memref_slice %arg15[%dma_start3A_136, %dma_start3A_137] : memref<10240x64xf32, #tpu.memory_space<vmem_shared>> -> memref<10240x64xf32, #tpu.memory_space<vmem_shared>>
          tpu.enqueue_indirect_dma source(%arg12 : memref<128x64xf32, #tpu.memory_space<vmem>>) target(%dma_start3A_138 : memref<10240x64xf32, #tpu.memory_space<vmem_shared>>) offsets(%dma_start3A_135 : memref<128xi32, #tpu.memory_space<vmem>>) semaphore(%run_scoped3A : memref<!tpu.dma_semaphore, #tpu.memory_space<semaphore_mem>>) {add = true}
          %dma_wait3A_139 = arith.constant 0 : i32
          %dma_wait3A_140 = tpu.memref_slice %arg8[%scan3A_90, %dma_wait3A_139] : memref<157x128xi32, #tpu.memory_space<vmem>> -> memref<1x128xi32, #tpu.memory_space<vmem>>
          %dma_wait3A_141 = tpu.memref_squeeze %dma_wait3A_140 : memref<1x128xi32, #tpu.memory_space<vmem>> -> memref<128xi32, #tpu.memory_space<vmem>>
          %dma_wait3A_142 = arith.constant 0 : i32
          %dma_wait3A_143 = arith.constant 0 : i32
          %dma_wait3A_144 = tpu.memref_slice %arg15[%dma_wait3A_142, %dma_wait3A_143] : memref<10240x64xf32, #tpu.memory_space<vmem_shared>> -> memref<10240x64xf32, #tpu.memory_space<vmem_shared>>
          tpu.wait_indirect_dma semaphore(%run_scoped3A : memref<!tpu.dma_semaphore, #tpu.memory_space<semaphore_mem>>) src(%arg12 : memref<128x64xf32, #tpu.memory_space<vmem>>) dst(%dma_wait3A_144 : memref<10240x64xf32, #tpu.memory_space<vmem_shared>>)
          tpu.yield
        }) : () -> ()
      } else {
      }
      %rem3A_115 = arith.constant 2 : i32
      %rem3A_116 = arith.remsi %scan3A_90, %rem3A_115 : i32
      %eq3A_117 = arith.cmpi eq, %rem3A_116, %arg0 : i32
      %convert_element_type3A_118 = arith.extui %eq3A_117 : i1 to i32
      %cond3A_119 = arith.constant 0 : i32
      %cond3A_120 = arith.cmpi ne, %convert_element_type3A_118, %cond3A_119 : i32
      scf.if %cond3A_120 {
        "tpu.region"() ({
          %run_scoped3A = tpu.sem_alloc : memref<!tpu.dma_semaphore, #tpu.memory_space<semaphore_mem>>
          %dma_start3A_121 = arith.constant 0 : i32
          %dma_start3A_122 = tpu.memref_slice %arg8[%scan3A_90, %dma_start3A_121] : memref<157x128xi32, #tpu.memory_space<vmem>> -> memref<1x128xi32, #tpu.memory_space<vmem>>
          %dma_start3A_123 = tpu.memref_squeeze %dma_start3A_122 : memref<1x128xi32, #tpu.memory_space<vmem>> -> memref<128xi32, #tpu.memory_space<vmem>>
          %dma_start3A_124 = arith.constant 0 : i32
          %dma_start3A_125 = arith.constant 0 : i32
          %dma_start3A_126 = tpu.memref_slice %arg16[%dma_start3A_124, %dma_start3A_125] : memref<10240x16xf32, #tpu.memory_space<vmem_shared>> -> memref<10240x16xf32, #tpu.memory_space<vmem_shared>>
          tpu.enqueue_indirect_dma source(%arg13 : memref<128x16xf32, #tpu.memory_space<vmem>>) target(%dma_start3A_126 : memref<10240x16xf32, #tpu.memory_space<vmem_shared>>) offsets(%dma_start3A_123 : memref<128xi32, #tpu.memory_space<vmem>>) semaphore(%run_scoped3A : memref<!tpu.dma_semaphore, #tpu.memory_space<semaphore_mem>>) {add = true}
          %dma_wait3A = arith.constant 0 : i32
          %dma_wait3A_127 = tpu.memref_slice %arg8[%scan3A_90, %dma_wait3A] : memref<157x128xi32, #tpu.memory_space<vmem>> -> memref<1x128xi32, #tpu.memory_space<vmem>>
          %dma_wait3A_128 = tpu.memref_squeeze %dma_wait3A_127 : memref<1x128xi32, #tpu.memory_space<vmem>> -> memref<128xi32, #tpu.memory_space<vmem>>
          %dma_wait3A_129 = arith.constant 0 : i32
          %dma_wait3A_130 = arith.constant 0 : i32
          %dma_wait3A_131 = tpu.memref_slice %arg16[%dma_wait3A_129, %dma_wait3A_130] : memref<10240x16xf32, #tpu.memory_space<vmem_shared>> -> memref<10240x16xf32, #tpu.memory_space<vmem_shared>>
          tpu.wait_indirect_dma semaphore(%run_scoped3A : memref<!tpu.dma_semaphore, #tpu.memory_space<semaphore_mem>>) src(%arg13 : memref<128x16xf32, #tpu.memory_space<vmem>>) dst(%dma_wait3A_131 : memref<10240x16xf32, #tpu.memory_space<vmem_shared>>)
          tpu.yield
        }) : () -> ()
      } else {
      }
    }
    %scan3A_80 = arith.constant 157 : i32
    %barrier3A_81 = arith.constant 0 : index
    tpu.barrier barrier_id(%barrier3A_81)
    %mul3A_82 = arith.constant 640 : i32
    %mul3A_83 = arith.muli %arg1, %mul3A_82 : i32
    %mul3A_84 = arith.constant 640 : i32
    %mul3A_85 = arith.muli %arg1, %mul3A_84 : i32
    "tpu.region"() ({
      %run_scoped3A = tpu.sem_alloc : memref<!tpu.dma_semaphore, #tpu.memory_space<semaphore_mem>>
      %dma_start3A_90 = arith.constant 0 : i32
      %dma_start3A_91 = tpu.memref_slice %arg5[%arg0, %mul3A_85, %dma_start3A_90] : memref<2x10240x64xf32, #tpu.memory_space<hbm>> -> memref<1x640x64xf32, #tpu.memory_space<hbm>>
      %dma_start3A_92 = tpu.memref_squeeze %dma_start3A_91 : memref<1x640x64xf32, #tpu.memory_space<hbm>> -> memref<640x64xf32, #tpu.memory_space<hbm>>
      %dma_start3A_93 = arith.constant 0 : i32
      %dma_start3A_94 = tpu.memref_slice %arg15[%mul3A_83, %dma_start3A_93] : memref<10240x64xf32, #tpu.memory_space<vmem_shared>> -> memref<640x64xf32, #tpu.memory_space<vmem_shared>>
      tpu.enqueue_dma source(%dma_start3A_94 : memref<640x64xf32, #tpu.memory_space<vmem_shared>>) target(%dma_start3A_92 : memref<640x64xf32, #tpu.memory_space<hbm>>) target_semaphore(%run_scoped3A : memref<!tpu.dma_semaphore, #tpu.memory_space<semaphore_mem>>)
      %dma_wait3A = arith.constant 0 : i32
      %dma_wait3A_95 = tpu.memref_slice %arg5[%arg0, %mul3A_85, %dma_wait3A] : memref<2x10240x64xf32, #tpu.memory_space<hbm>> -> memref<1x640x64xf32, #tpu.memory_space<hbm>>
      %dma_wait3A_96 = tpu.memref_squeeze %dma_wait3A_95 : memref<1x640x64xf32, #tpu.memory_space<hbm>> -> memref<640x64xf32, #tpu.memory_space<hbm>>
      %dma_wait3A_97 = arith.constant 0 : i32
      %dma_wait3A_98 = tpu.memref_slice %arg15[%mul3A_83, %dma_wait3A_97] : memref<10240x64xf32, #tpu.memory_space<vmem_shared>> -> memref<640x64xf32, #tpu.memory_space<vmem_shared>>
      tpu.wait_dma2 semaphore(%run_scoped3A : memref<!tpu.dma_semaphore, #tpu.memory_space<semaphore_mem>>) src(%dma_wait3A_98 : memref<640x64xf32, #tpu.memory_space<vmem_shared>>) dst(%dma_wait3A_96 : memref<640x64xf32, #tpu.memory_space<hbm>>)
      tpu.yield
    }) : () -> ()
    %mul3A_86 = arith.constant 640 : i32
    %mul3A_87 = arith.muli %arg1, %mul3A_86 : i32
    %mul3A_88 = arith.constant 640 : i32
    %mul3A_89 = arith.muli %arg1, %mul3A_88 : i32
    "tpu.region"() ({
      %run_scoped3A = tpu.sem_alloc : memref<!tpu.dma_semaphore, #tpu.memory_space<semaphore_mem>>
      %dma_start3A_90 = arith.constant 0 : i32
      %dma_start3A_91 = tpu.memref_slice %arg6[%arg0, %mul3A_89, %dma_start3A_90] : memref<2x10240x16xf32, #tpu.memory_space<hbm>> -> memref<1x640x16xf32, #tpu.memory_space<hbm>>
      %dma_start3A_92 = tpu.memref_squeeze %dma_start3A_91 : memref<1x640x16xf32, #tpu.memory_space<hbm>> -> memref<640x16xf32, #tpu.memory_space<hbm>>
      %dma_start3A_93 = arith.constant 0 : i32
      %dma_start3A_94 = tpu.memref_slice %arg16[%mul3A_87, %dma_start3A_93] : memref<10240x16xf32, #tpu.memory_space<vmem_shared>> -> memref<640x16xf32, #tpu.memory_space<vmem_shared>>
      tpu.enqueue_dma source(%dma_start3A_94 : memref<640x16xf32, #tpu.memory_space<vmem_shared>>) target(%dma_start3A_92 : memref<640x16xf32, #tpu.memory_space<hbm>>) target_semaphore(%run_scoped3A : memref<!tpu.dma_semaphore, #tpu.memory_space<semaphore_mem>>)
      %dma_wait3A = arith.constant 0 : i32
      %dma_wait3A_95 = tpu.memref_slice %arg6[%arg0, %mul3A_89, %dma_wait3A] : memref<2x10240x16xf32, #tpu.memory_space<hbm>> -> memref<1x640x16xf32, #tpu.memory_space<hbm>>
      %dma_wait3A_96 = tpu.memref_squeeze %dma_wait3A_95 : memref<1x640x16xf32, #tpu.memory_space<hbm>> -> memref<640x16xf32, #tpu.memory_space<hbm>>
      %dma_wait3A_97 = arith.constant 0 : i32
      %dma_wait3A_98 = tpu.memref_slice %arg16[%mul3A_87, %dma_wait3A_97] : memref<10240x16xf32, #tpu.memory_space<vmem_shared>> -> memref<640x16xf32, #tpu.memory_space<vmem_shared>>
      tpu.wait_dma2 semaphore(%run_scoped3A : memref<!tpu.dma_semaphore, #tpu.memory_space<semaphore_mem>>) src(%dma_wait3A_98 : memref<640x16xf32, #tpu.memory_space<vmem_shared>>) dst(%dma_wait3A_96 : memref<640x16xf32, #tpu.memory_space<hbm>>)
      tpu.yield
    }) : () -> ()
    return
  }
}

module attributes {stable_mosaic.version = 14 : i64} {
  func.func @_layer1_body(%arg0: i32, %arg1: memref<1x1024x64xf32, #tpu.memory_space<vmem>>, %arg2: memref<1x1024x64xf32, #tpu.memory_space<vmem>>, %arg3: memref<1x1024x16xf32, #tpu.memory_space<vmem>>, %arg4: memref<1x1024x16xf32, #tpu.memory_space<vmem>>, %arg5: memref<1024x128xf32, #tpu.memory_space<vmem>>, %arg6: memref<128x128xf32, #tpu.memory_space<vmem>>, %arg7: memref<128x128xf32, #tpu.memory_space<vmem>>, %arg8: memref<1x128xf32, #tpu.memory_space<vmem>>, %arg9: memref<1024x128xf32, #tpu.memory_space<vmem>>) attributes {dimension_semantics = [#tpu.dimension_semantics<arbitrary>], iteration_bounds = array<i64: 10>, scalar_prefetch = 0 : i64, scratch_operands = 0 : i64, tpu.core_type = #tpu.core_type<tc>, window_params = [{transform_indices = @transform_0, window_bounds = array<i64: 1, 1024, 64>}, {transform_indices = @transform_1, window_bounds = array<i64: 1, 1024, 64>}, {transform_indices = @transform_2, window_bounds = array<i64: 1, 1024, 16>}, {transform_indices = @transform_3, window_bounds = array<i64: 1, 1024, 16>}, {transform_indices = @transform_4, window_bounds = array<i64: 1024, 128>}, {pipeline_mode = #tpu.pipeline_mode<synchronous>, transform_indices = @transform_5, window_bounds = array<i64: 128, 128>}, {pipeline_mode = #tpu.pipeline_mode<synchronous>, transform_indices = @transform_6, window_bounds = array<i64: 128, 128>}, {pipeline_mode = #tpu.pipeline_mode<synchronous>, transform_indices = @transform_7, window_bounds = array<i64: 1, 128>}, {transform_indices = @transform_8, window_bounds = array<i64: 1024, 128>}]} {
    %get3A = arith.constant 0 : index
    %get3A_0 = arith.constant 0 : index
    %get3A_1 = arith.constant 0 : index
    %get3A_2 = vector.load %arg1[%get3A, %get3A_0, %get3A_1] : memref<1x1024x64xf32, #tpu.memory_space<vmem>>, vector<1x1024x64xf32>
    %get3A_3 = vector.shape_cast %get3A_2 : vector<1x1024x64xf32> to vector<1024x64xf32>
    %get3A_4 = arith.constant 0 : index
    %get3A_5 = arith.constant 0 : index
    %get3A_6 = arith.constant 0 : index
    %get3A_7 = vector.load %arg2[%get3A_4, %get3A_5, %get3A_6] : memref<1x1024x64xf32, #tpu.memory_space<vmem>>, vector<1x1024x64xf32>
    %get3A_8 = vector.shape_cast %get3A_7 : vector<1x1024x64xf32> to vector<1024x64xf32>
    %concatenate3A = tpu.concatenate %get3A_3, %get3A_8 in 1 : vector<1024x64xf32>, vector<1024x64xf32> -> vector<1024x128xf32>
    %get3A_9 = arith.constant 0 : index
    %get3A_10 = arith.constant 0 : index
    %get3A_11 = arith.constant 0 : index
    %get3A_12 = vector.load %arg3[%get3A_9, %get3A_10, %get3A_11] : memref<1x1024x16xf32, #tpu.memory_space<vmem>>, vector<1x1024x1xf32>
    %get3A_13 = vector.shape_cast %get3A_12 : vector<1x1024x1xf32> to vector<1024x1xf32>
    %get3A_14 = arith.constant 0 : index
    %get3A_15 = arith.constant 0 : index
    %get3A_16 = arith.constant 0 : index
    %get3A_17 = vector.load %arg4[%get3A_14, %get3A_15, %get3A_16] : memref<1x1024x16xf32, #tpu.memory_space<vmem>>, vector<1x1024x1xf32>
    %get3A_18 = vector.shape_cast %get3A_17 : vector<1x1024x1xf32> to vector<1024x1xf32>
    %add3A = arith.addf %get3A_13, %get3A_18 : vector<1024x1xf32>
    %max3A = arith.constant 1.000000e+00 : f32
    %max3A_19 = vector.broadcast %max3A : f32 to vector<1024x1xf32>
    %max3A_20 = arith.maximumf %add3A, %max3A_19 : vector<1024x1xf32>
    %div3A = vector.broadcast %max3A_20 : vector<1024x1xf32> to vector<1024x128xf32>
    %div3A_21 = arith.divf %concatenate3A, %div3A : vector<1024x128xf32>
    %get3A_22 = arith.constant 0 : index
    %get3A_23 = arith.constant 0 : index
    %get3A_24 = vector.load %arg6[%get3A_22, %get3A_23] : memref<128x128xf32, #tpu.memory_space<vmem>>, vector<128x128xf32>
    %dot_general3A = arith.constant dense<0.000000e+00> : vector<1024x128xf32>
    %dot_general3A_25 = tpu.matmul %div3A_21, %get3A_24, %dot_general3A {dimension_numbers = #tpu.dot_dimension_numbers<[1], [1], [0], [0], [0, 0, 1, 0], [], []>, transpose_lhs_hint = false} : vector<1024x128xf32>, vector<128x128xf32>, vector<1024x128xf32> -> vector<1024x128xf32>
    %get3A_26 = arith.constant 0 : index
    %get3A_27 = arith.constant 0 : index
    %get3A_28 = vector.load %arg5[%get3A_26, %get3A_27] : memref<1024x128xf32, #tpu.memory_space<vmem>>, vector<1024x128xf32>
    %get3A_29 = arith.constant 0 : index
    %get3A_30 = arith.constant 0 : index
    %get3A_31 = vector.load %arg7[%get3A_29, %get3A_30] : memref<128x128xf32, #tpu.memory_space<vmem>>, vector<128x128xf32>
    %dot_general3A_32 = arith.constant dense<0.000000e+00> : vector<1024x128xf32>
    %dot_general3A_33 = tpu.matmul %get3A_28, %get3A_31, %dot_general3A_32 {dimension_numbers = #tpu.dot_dimension_numbers<[1], [1], [0], [0], [0, 0, 1, 0], [], []>, transpose_lhs_hint = false} : vector<1024x128xf32>, vector<128x128xf32>, vector<1024x128xf32> -> vector<1024x128xf32>
    %add3A_34 = arith.addf %dot_general3A_25, %dot_general3A_33 : vector<1024x128xf32>
    %get3A_35 = arith.constant 0 : index
    %get3A_36 = arith.constant 0 : index
    %get3A_37 = vector.load %arg8[%get3A_35, %get3A_36] : memref<1x128xf32, #tpu.memory_space<vmem>>, vector<1x128xf32>
    %add3A_38 = vector.broadcast %get3A_37 : vector<1x128xf32> to vector<1024x128xf32>
    %add3A_39 = arith.addf %add3A_34, %add3A_38 : vector<1024x128xf32>
    %max3A_40 = arith.constant 0.000000e+00 : f32
    %max3A_41 = vector.broadcast %max3A_40 : f32 to vector<1024x128xf32>
    %max3A_42 = arith.maximumf %add3A_39, %max3A_41 : vector<1024x128xf32>
    %swap3A = arith.constant 0 : index
    %swap3A_43 = arith.constant 0 : index
    %swap3A_44 = vector.load %arg9[%swap3A, %swap3A_43] : memref<1024x128xf32, #tpu.memory_space<vmem>>, vector<1024x128xf32>
    tpu.vector_store %arg9[%swap3A, %swap3A_43], %max3A_42 {strides = array<i32>} : memref<1024x128xf32, #tpu.memory_space<vmem>>, vector<1024x128xf32>,
    return
  }
  func.func @transform_0(%arg0: i32) -> (i32, i32, i32) {
    %c0_i32 = arith.constant 0 : i32
    %c0_i32_0 = arith.constant 0 : i32
    %c0_i32_1 = arith.constant 0 : i32
    return %c0_i32, %arg0, %c0_i32_0 : i32, i32, i32
  }
  func.func @transform_1(%arg0: i32) -> (i32, i32, i32) {
    %c1_i32 = arith.constant 1 : i32
    %c0_i32 = arith.constant 0 : i32
    %c0_i32_0 = arith.constant 0 : i32
    return %c1_i32, %arg0, %c0_i32 : i32, i32, i32
  }
  func.func @transform_2(%arg0: i32) -> (i32, i32, i32) {
    %c0_i32 = arith.constant 0 : i32
    %c0_i32_0 = arith.constant 0 : i32
    %c0_i32_1 = arith.constant 0 : i32
    return %c0_i32, %arg0, %c0_i32_0 : i32, i32, i32
  }
  func.func @transform_3(%arg0: i32) -> (i32, i32, i32) {
    %c1_i32 = arith.constant 1 : i32
    %c0_i32 = arith.constant 0 : i32
    %c0_i32_0 = arith.constant 0 : i32
    return %c1_i32, %arg0, %c0_i32 : i32, i32, i32
  }
  func.func @transform_4(%arg0: i32) -> (i32, i32) {
    %c0_i32 = arith.constant 0 : i32
    %c0_i32_0 = arith.constant 0 : i32
    return %arg0, %c0_i32 : i32, i32
  }
  func.func @transform_5(%arg0: i32) -> (i32, i32) {
    %c0_i32 = arith.constant 0 : i32
    %c0_i32_0 = arith.constant 0 : i32
    %c0_i32_1 = arith.constant 0 : i32
    return %c0_i32, %c0_i32_0 : i32, i32
  }
  func.func @transform_6(%arg0: i32) -> (i32, i32) {
    %c0_i32 = arith.constant 0 : i32
    %c0_i32_0 = arith.constant 0 : i32
    %c0_i32_1 = arith.constant 0 : i32
    return %c0_i32, %c0_i32_0 : i32, i32
  }
  func.func @transform_7(%arg0: i32) -> (i32, i32) {
    %c0_i32 = arith.constant 0 : i32
    %c0_i32_0 = arith.constant 0 : i32
    %c0_i32_1 = arith.constant 0 : i32
    return %c0_i32, %c0_i32_0 : i32, i32
  }
  func.func @transform_8(%arg0: i32) -> (i32, i32) {
    %c0_i32 = arith.constant 0 : i32
    %c0_i32_0 = arith.constant 0 : i32
    return %arg0, %c0_i32 : i32, i32
  }
}

module attributes {stable_mosaic.version = 14 : i64} {
  func.func @_layer2_body(%arg0: i32, %arg1: memref<1x1024x64xf32, #tpu.memory_space<vmem>>, %arg2: memref<1x1024x64xf32, #tpu.memory_space<vmem>>, %arg3: memref<1x1024x16xf32, #tpu.memory_space<vmem>>, %arg4: memref<1x1024x16xf32, #tpu.memory_space<vmem>>, %arg5: memref<1024x128xf32, #tpu.memory_space<vmem>>, %arg6: memref<128x128xf32, #tpu.memory_space<vmem>>, %arg7: memref<128x128xf32, #tpu.memory_space<vmem>>, %arg8: memref<1x128xf32, #tpu.memory_space<vmem>>, %arg9: memref<1024x1xi32, #tpu.memory_space<vmem>>, %arg10: memref<128x128xf32, #tpu.memory_space<vmem>>, %arg11: memref<1x128xf32, #tpu.memory_space<vmem>>, %arg12: memref<128x128xf32, #tpu.memory_space<vmem>>, %arg13: memref<128x128xf32, #tpu.memory_space<vmem>>, %arg14: memref<128x128xf32, #tpu.memory_space<vmem>>) attributes {dimension_semantics = [#tpu.dimension_semantics<arbitrary>], iteration_bounds = array<i64: 10>, scalar_prefetch = 0 : i64, scratch_operands = 2 : i64, tpu.core_type = #tpu.core_type<tc>, window_params = [{transform_indices = @transform_0, window_bounds = array<i64: 1, 1024, 64>}, {transform_indices = @transform_1, window_bounds = array<i64: 1, 1024, 64>}, {transform_indices = @transform_2, window_bounds = array<i64: 1, 1024, 16>}, {transform_indices = @transform_3, window_bounds = array<i64: 1, 1024, 16>}, {transform_indices = @transform_4, window_bounds = array<i64: 1024, 128>}, {pipeline_mode = #tpu.pipeline_mode<synchronous>, transform_indices = @transform_5, window_bounds = array<i64: 128, 128>}, {pipeline_mode = #tpu.pipeline_mode<synchronous>, transform_indices = @transform_6, window_bounds = array<i64: 128, 128>}, {pipeline_mode = #tpu.pipeline_mode<synchronous>, transform_indices = @transform_7, window_bounds = array<i64: 1, 128>}, {transform_indices = @transform_8, window_bounds = array<i64: 1024, 1>}, {pipeline_mode = #tpu.pipeline_mode<synchronous>, transform_indices = @transform_9, window_bounds = array<i64: 128, 128>}, {pipeline_mode = #tpu.pipeline_mode<synchronous>, transform_indices = @transform_10, window_bounds = array<i64: 1, 128>}, {pipeline_mode = #tpu.pipeline_mode<synchronous>, transform_indices = @transform_11, window_bounds = array<i64: 128, 128>}]} {
    %eq3A = arith.constant 0 : i32
    %eq3A_0 = arith.cmpi eq, %arg0, %eq3A : i32
    %convert_element_type3A = arith.extui %eq3A_0 : i1 to i32
    %cond3A = arith.constant 0 : i32
    %cond3A_1 = arith.cmpi ne, %convert_element_type3A, %cond3A : i32
    scf.if %cond3A_1 {
      %broadcast_in_dim3A_77 = arith.constant 0.000000e+00 : f32
      %broadcast_in_dim3A_78 = vector.broadcast %broadcast_in_dim3A_77 : f32 to vector<128x128xf32>
      %swap3A_79 = arith.constant 0 : index
      %swap3A_80 = arith.constant 0 : index
      %swap3A_81 = vector.load %arg13[%swap3A_79, %swap3A_80] : memref<128x128xf32, #tpu.memory_space<vmem>>, vector<128x128xf32>
      tpu.vector_store %arg13[%swap3A_79, %swap3A_80], %broadcast_in_dim3A_78 {strides = array<i32>} : memref<128x128xf32, #tpu.memory_space<vmem>>, vector<128x128xf32>,
      %broadcast_in_dim3A_82 = arith.constant 0.000000e+00 : f32
      %broadcast_in_dim3A_83 = vector.broadcast %broadcast_in_dim3A_82 : f32 to vector<128x128xf32>
      %swap3A_84 = arith.constant 0 : index
      %swap3A_85 = arith.constant 0 : index
      %swap3A_86 = vector.load %arg14[%swap3A_84, %swap3A_85] : memref<128x128xf32, #tpu.memory_space<vmem>>, vector<128x128xf32>
      tpu.vector_store %arg14[%swap3A_84, %swap3A_85], %broadcast_in_dim3A_83 {strides = array<i32>} : memref<128x128xf32, #tpu.memory_space<vmem>>, vector<128x128xf32>,
    } else {
    }
    %get3A = arith.constant 0 : index
    %get3A_2 = arith.constant 0 : index
    %get3A_3 = arith.constant 0 : index
    %get3A_4 = vector.load %arg1[%get3A, %get3A_2, %get3A_3] : memref<1x1024x64xf32, #tpu.memory_space<vmem>>, vector<1x1024x64xf32>
    %get3A_5 = vector.shape_cast %get3A_4 : vector<1x1024x64xf32> to vector<1024x64xf32>
    %get3A_6 = arith.constant 0 : index
    %get3A_7 = arith.constant 0 : index
    %get3A_8 = arith.constant 0 : index
    %get3A_9 = vector.load %arg2[%get3A_6, %get3A_7, %get3A_8] : memref<1x1024x64xf32, #tpu.memory_space<vmem>>, vector<1x1024x64xf32>
    %get3A_10 = vector.shape_cast %get3A_9 : vector<1x1024x64xf32> to vector<1024x64xf32>
    %concatenate3A = tpu.concatenate %get3A_5, %get3A_10 in 1 : vector<1024x64xf32>, vector<1024x64xf32> -> vector<1024x128xf32>
    %get3A_11 = arith.constant 0 : index
    %get3A_12 = arith.constant 0 : index
    %get3A_13 = arith.constant 0 : index
    %get3A_14 = vector.load %arg3[%get3A_11, %get3A_12, %get3A_13] : memref<1x1024x16xf32, #tpu.memory_space<vmem>>, vector<1x1024x1xf32>
    %get3A_15 = vector.shape_cast %get3A_14 : vector<1x1024x1xf32> to vector<1024x1xf32>
    %get3A_16 = arith.constant 0 : index
    %get3A_17 = arith.constant 0 : index
    %get3A_18 = arith.constant 0 : index
    %get3A_19 = vector.load %arg4[%get3A_16, %get3A_17, %get3A_18] : memref<1x1024x16xf32, #tpu.memory_space<vmem>>, vector<1x1024x1xf32>
    %get3A_20 = vector.shape_cast %get3A_19 : vector<1x1024x1xf32> to vector<1024x1xf32>
    %add3A = arith.addf %get3A_15, %get3A_20 : vector<1024x1xf32>
    %max3A = arith.constant 1.000000e+00 : f32
    %max3A_21 = vector.broadcast %max3A : f32 to vector<1024x1xf32>
    %max3A_22 = arith.maximumf %add3A, %max3A_21 : vector<1024x1xf32>
    %div3A = vector.broadcast %max3A_22 : vector<1024x1xf32> to vector<1024x128xf32>
    %div3A_23 = arith.divf %concatenate3A, %div3A : vector<1024x128xf32>
    %get3A_24 = arith.constant 0 : index
    %get3A_25 = arith.constant 0 : index
    %get3A_26 = vector.load %arg6[%get3A_24, %get3A_25] : memref<128x128xf32, #tpu.memory_space<vmem>>, vector<128x128xf32>
    %dot_general3A = arith.constant dense<0.000000e+00> : vector<1024x128xf32>
    %dot_general3A_27 = tpu.matmul %div3A_23, %get3A_26, %dot_general3A {dimension_numbers = #tpu.dot_dimension_numbers<[1], [1], [0], [0], [0, 0, 1, 0], [], []>, transpose_lhs_hint = false} : vector<1024x128xf32>, vector<128x128xf32>, vector<1024x128xf32> -> vector<1024x128xf32>
    %get3A_28 = arith.constant 0 : index
    %get3A_29 = arith.constant 0 : index
    %get3A_30 = vector.load %arg5[%get3A_28, %get3A_29] : memref<1024x128xf32, #tpu.memory_space<vmem>>, vector<1024x128xf32>
    %get3A_31 = arith.constant 0 : index
    %get3A_32 = arith.constant 0 : index
    %get3A_33 = vector.load %arg7[%get3A_31, %get3A_32] : memref<128x128xf32, #tpu.memory_space<vmem>>, vector<128x128xf32>
    %dot_general3A_34 = arith.constant dense<0.000000e+00> : vector<1024x128xf32>
    %dot_general3A_35 = tpu.matmul %get3A_30, %get3A_33, %dot_general3A_34 {dimension_numbers = #tpu.dot_dimension_numbers<[1], [1], [0], [0], [0, 0, 1, 0], [], []>, transpose_lhs_hint = false} : vector<1024x128xf32>, vector<128x128xf32>, vector<1024x128xf32> -> vector<1024x128xf32>
    %add3A_36 = arith.addf %dot_general3A_27, %dot_general3A_35 : vector<1024x128xf32>
    %get3A_37 = arith.constant 0 : index
    %get3A_38 = arith.constant 0 : index
    %get3A_39 = vector.load %arg8[%get3A_37, %get3A_38] : memref<1x128xf32, #tpu.memory_space<vmem>>, vector<1x128xf32>
    %add3A_40 = vector.broadcast %get3A_39 : vector<1x128xf32> to vector<1024x128xf32>
    %add3A_41 = arith.addf %add3A_36, %add3A_40 : vector<1024x128xf32>
    %max3A_42 = arith.constant 0.000000e+00 : f32
    %max3A_43 = vector.broadcast %max3A_42 : f32 to vector<1024x128xf32>
    %max3A_44 = arith.maximumf %add3A_41, %max3A_43 : vector<1024x128xf32>
    %get3A_45 = arith.constant 0 : index
    %get3A_46 = arith.constant 0 : index
    %get3A_47 = vector.load %arg9[%get3A_45, %get3A_46] : memref<1024x1xi32, #tpu.memory_space<vmem>>, vector<1024x1xi32>
    %get3A_48 = vector.shape_cast %get3A_47 : vector<1024x1xi32> to vector<1024xi32>
    %broadcast_in_dim3A = vector.shape_cast %get3A_48 : vector<1024xi32> to vector<1x1024xi32>
    %iota3A = tpu.iota {dimensions = array<i32: 0>} : vector<128x1024xi32>
    %eq3A_49 = vector.broadcast %broadcast_in_dim3A : vector<1x1024xi32> to vector<128x1024xi32>
    %eq3A_50 = arith.cmpi eq, %eq3A_49, %iota3A : vector<128x1024xi32>
    %convert_element_type3A_51 = arith.extui %eq3A_50 : vector<128x1024xi1> to vector<128x1024xi32>
    %convert_element_type3A_52 = arith.sitofp %convert_element_type3A_51 : vector<128x1024xi32> to vector<128x1024xf32>
    %get3A_53 = arith.constant 0 : index
    %get3A_54 = arith.constant 0 : index
    %get3A_55 = vector.load %arg13[%get3A_53, %get3A_54] : memref<128x128xf32, #tpu.memory_space<vmem>>, vector<128x128xf32>
    %dot_general3A_56 = arith.constant dense<0.000000e+00> : vector<128x128xf32>
    %dot_general3A_57 = tpu.matmul %convert_element_type3A_52, %max3A_44, %dot_general3A_56 {dimension_numbers = #tpu.dot_dimension_numbers<[1], [0], [0], [1], [0, 0, 1, 1], [], []>, transpose_lhs_hint = false} : vector<128x1024xf32>, vector<1024x128xf32>, vector<128x128xf32> -> vector<128x128xf32>
    %add3A_58 = arith.addf %get3A_55, %dot_general3A_57 : vector<128x128xf32>
    %swap3A = arith.constant 0 : index
    %swap3A_59 = arith.constant 0 : index
    %swap3A_60 = vector.load %arg13[%swap3A, %swap3A_59] : memref<128x128xf32, #tpu.memory_space<vmem>>, vector<128x128xf32>
    tpu.vector_store %arg13[%swap3A, %swap3A_59], %add3A_58 {strides = array<i32>} : memref<128x128xf32, #tpu.memory_space<vmem>>, vector<128x128xf32>,
    %get3A_61 = arith.constant 0 : index
    %get3A_62 = arith.constant 0 : index
    %get3A_63 = vector.load %arg14[%get3A_61, %get3A_62] : memref<128x128xf32, #tpu.memory_space<vmem>>, vector<128x128xf32>
    %reduce_sum3A = arith.constant dense<0.000000e+00> : vector<128xf32>
    %reduce_sum3A_64 = vector.multi_reduction <add>, %convert_element_type3A_52, %reduce_sum3A [1] : vector<128x1024xf32> to vector<128xf32>
    %broadcast_in_dim3A_65 = vector.shape_cast %reduce_sum3A_64 : vector<128xf32> to vector<128x1xf32>
    %broadcast_in_dim3A_66 = vector.shape_cast %broadcast_in_dim3A_65 : vector<128x1xf32> to vector<128x1xf32>
    %broadcast_in_dim3A_67 = vector.broadcast %broadcast_in_dim3A_66 : vector<128x1xf32> to vector<128x128xf32>
    %add3A_68 = arith.addf %get3A_63, %broadcast_in_dim3A_67 : vector<128x128xf32>
    %swap3A_69 = arith.constant 0 : index
    %swap3A_70 = arith.constant 0 : index
    %swap3A_71 = vector.load %arg14[%swap3A_69, %swap3A_70] : memref<128x128xf32, #tpu.memory_space<vmem>>, vector<128x128xf32>
    tpu.vector_store %arg14[%swap3A_69, %swap3A_70], %add3A_68 {strides = array<i32>} : memref<128x128xf32, #tpu.memory_space<vmem>>, vector<128x128xf32>,
    %eq3A_72 = arith.constant 9 : i32
    %eq3A_73 = arith.cmpi eq, %arg0, %eq3A_72 : i32
    %convert_element_type3A_74 = arith.extui %eq3A_73 : i1 to i32
    %cond3A_75 = arith.constant 0 : i32
    %cond3A_76 = arith.cmpi ne, %convert_element_type3A_74, %cond3A_75 : i32
    scf.if %cond3A_76 {
      %get3A_77 = arith.constant 0 : index
      %get3A_78 = arith.constant 0 : index
      %get3A_79 = vector.load %arg13[%get3A_77, %get3A_78] : memref<128x128xf32, #tpu.memory_space<vmem>>, vector<128x128xf32>
      %get3A_80 = arith.constant 0 : index
      %get3A_81 = arith.constant 0 : index
      %get3A_82 = vector.load %arg14[%get3A_80, %get3A_81] : memref<128x128xf32, #tpu.memory_space<vmem>>, vector<128x128xf32>
      %max3A_83 = arith.constant 1.000000e+00 : f32
      %max3A_84 = vector.broadcast %max3A_83 : f32 to vector<128x128xf32>
      %max3A_85 = arith.maximumf %get3A_82, %max3A_84 : vector<128x128xf32>
      %div3A_86 = arith.divf %get3A_79, %max3A_85 : vector<128x128xf32>
      %get3A_87 = arith.constant 0 : index
      %get3A_88 = arith.constant 0 : index
      %get3A_89 = vector.load %arg10[%get3A_87, %get3A_88] : memref<128x128xf32, #tpu.memory_space<vmem>>, vector<128x128xf32>
      %dot_general3A_90 = arith.constant dense<0.000000e+00> : vector<128x128xf32>
      %dot_general3A_91 = tpu.matmul %div3A_86, %get3A_89, %dot_general3A_90 {dimension_numbers = #tpu.dot_dimension_numbers<[1], [1], [0], [0], [0, 0, 1, 0], [], []>, transpose_lhs_hint = false} : vector<128x128xf32>, vector<128x128xf32>, vector<128x128xf32> -> vector<128x128xf32>
      %get3A_92 = arith.constant 0 : index
      %get3A_93 = arith.constant 0 : index
      %get3A_94 = vector.load %arg11[%get3A_92, %get3A_93] : memref<1x128xf32, #tpu.memory_space<vmem>>, vector<1x128xf32>
      %add3A_95 = vector.broadcast %get3A_94 : vector<1x128xf32> to vector<128x128xf32>
      %add3A_96 = arith.addf %dot_general3A_91, %add3A_95 : vector<128x128xf32>
      %swap3A_97 = arith.constant 0 : index
      %swap3A_98 = arith.constant 0 : index
      %swap3A_99 = vector.load %arg12[%swap3A_97, %swap3A_98] : memref<128x128xf32, #tpu.memory_space<vmem>>, vector<128x128xf32>
      tpu.vector_store %arg12[%swap3A_97, %swap3A_98], %add3A_96 {strides = array<i32>} : memref<128x128xf32, #tpu.memory_space<vmem>>, vector<128x128xf32>,
    } else {
    }
    return
  }
  func.func @transform_0(%arg0: i32) -> (i32, i32, i32) {
    %c0_i32 = arith.constant 0 : i32
    %c0_i32_0 = arith.constant 0 : i32
    %c0_i32_1 = arith.constant 0 : i32
    return %c0_i32, %arg0, %c0_i32_0 : i32, i32, i32
  }
  func.func @transform_1(%arg0: i32) -> (i32, i32, i32) {
    %c1_i32 = arith.constant 1 : i32
    %c0_i32 = arith.constant 0 : i32
    %c0_i32_0 = arith.constant 0 : i32
    return %c1_i32, %arg0, %c0_i32 : i32, i32, i32
  }
  func.func @transform_2(%arg0: i32) -> (i32, i32, i32) {
    %c0_i32 = arith.constant 0 : i32
    %c0_i32_0 = arith.constant 0 : i32
    %c0_i32_1 = arith.constant 0 : i32
    return %c0_i32, %arg0, %c0_i32_0 : i32, i32, i32
  }
  func.func @transform_3(%arg0: i32) -> (i32, i32, i32) {
    %c1_i32 = arith.constant 1 : i32
    %c0_i32 = arith.constant 0 : i32
    %c0_i32_0 = arith.constant 0 : i32
    return %c1_i32, %arg0, %c0_i32 : i32, i32, i32
  }
  func.func @transform_4(%arg0: i32) -> (i32, i32) {
    %c0_i32 = arith.constant 0 : i32
    %c0_i32_0 = arith.constant 0 : i32
    return %arg0, %c0_i32 : i32, i32
  }
  func.func @transform_5(%arg0: i32) -> (i32, i32) {
    %c0_i32 = arith.constant 0 : i32
    %c0_i32_0 = arith.constant 0 : i32
    %c0_i32_1 = arith.constant 0 : i32
    return %c0_i32, %c0_i32_0 : i32, i32
  }
  func.func @transform_6(%arg0: i32) -> (i32, i32) {
    %c0_i32 = arith.constant 0 : i32
    %c0_i32_0 = arith.constant 0 : i32
    %c0_i32_1 = arith.constant 0 : i32
    return %c0_i32, %c0_i32_0 : i32, i32
  }
  func.func @transform_7(%arg0: i32) -> (i32, i32) {
    %c0_i32 = arith.constant 0 : i32
    %c0_i32_0 = arith.constant 0 : i32
    %c0_i32_1 = arith.constant 0 : i32
    return %c0_i32, %c0_i32_0 : i32, i32
  }
  func.func @transform_8(%arg0: i32) -> (i32, i32) {
    %c0_i32 = arith.constant 0 : i32
    %c0_i32_0 = arith.constant 0 : i32
    return %arg0, %c0_i32 : i32, i32
  }
  func.func @transform_9(%arg0: i32) -> (i32, i32) {
    %c0_i32 = arith.constant 0 : i32
    %c0_i32_0 = arith.constant 0 : i32
    %c0_i32_1 = arith.constant 0 : i32
    return %c0_i32, %c0_i32_0 : i32, i32
  }
  func.func @transform_10(%arg0: i32) -> (i32, i32) {
    %c0_i32 = arith.constant 0 : i32
    %c0_i32_0 = arith.constant 0 : i32
    %c0_i32_1 = arith.constant 0 : i32
    return %c0_i32, %c0_i32_0 : i32, i32
  }
  func.func @transform_11(%arg0: i32) -> (i32, i32) {
    %c0_i32 = arith.constant 0 : i32
    %c0_i32_0 = arith.constant 0 : i32
    %c0_i32_1 = arith.constant 0 : i32
    return %c0_i32, %c0_i32_0 : i32, i32
  }
}

</mosaic_0001>

<sc_bundles>
// kernel: kernel.6.cloned.1.call-start
scs
__scs_entry_jumppad:
0x0: {  	(pc) =	sbr.rel $0x88, $3  }
0x1: {  	(tag) =	ssettag $0x0;
	lr =	simm.s32 $0x1  }
0x2: {  	[smem:$0x3F96] =	sst lr;
	_ =	strace $0xD0000000  }
0x3: {  	_ = 	snop  }
0x4: {  	_ = 	snop  }
0x5: {  	_ = 	snop  }
0x6: {  	_ = 	snop  }
0x7: {  	_ = 	snop  }
__scs_overlays_trampoline_lowered:
0x8: {  	[smem:$0x3FA5] =	sst s0  }
0x9: {  	[smem:$0x3FA6] =	sst s1  }
0xa: {  	[smem:$0x3FA7] =	sst s2  }
0xb: {  	[smem:$0x3FA8] =	sst s3  }
0xc: {  	[smem:$0x3FA9] =	sst s4  }
0xd: {  	[smem:$0x3FAA] =	sst s5  }
0xe: {  	[smem:$0x3FAB] =	sst s6  }
0xf: {  	[smem:$0x3FAC] =	sst s7  }
0x10: {  	[smem:$0x3FAD] =	sst s8  }
0x11: {  	[smem:$0x3FAE] =	sst s9;
	s0 =	simm.s32 @!p0 $0x0  }
0x12: {  	s1 =	sld [smem:$0x3F94];
	s0 =	simm.s32 @p0 $0x1  }
0x13: {  	[smem:$0x3FAF] =	sst s0;
	s0 =	simm.s32 @!p1 $0x0  }
0x14: {  	s2 =	sld [smem:$0x3F93];
	s0 =	simm.s32 @p1 $0x1  }
0x15: {  	[smem:$0x3FB0] =	sst s0;
	s0 =	simm.s32 @!p2 $0x0  }
0x16: {  	s3 =	sld [smem:$0x3FDB];
	s0 =	simm.s32 @p2 $0x1  }
0x17: {  	s4 =	simm.s32 $0x1BF5;
	[smem:$0x3FB2] =	sst s0  }
0x18: {  	s0 =	sld [smem:$0x3F95];
	_ =	swait.ge [sflag:s4], $0x0  }
0x19: {  	s7 =	sld [smem:$0x3F96]  }
0x1a: {  	s8 =	sadd.s32 $0xFFFFE003, lr  }
0x1b: {  	s9 =	sadd.s32 $0xFFFFFEF7, lr;
	s5 =	simm.s32 $0xFFFFFFFF;
	p2 =	slt.u32 s8, $0xFFFFF086  }
0x1c: {  	p1 =	slt.u32 s9, $0xF7A;
	s5 =	simm.s32 @!p2 $0x0  }
0x1d: {  	s5 =	simm.s32 @p1 $0x1;
	p0 =	seq.s32 s7, s2  }
0x1e: {  	s7 =	smul.u32 @!p0 $0xF7A, s2;
	p2 =	seq.s32 @!p0 s5, $0x0  }
0x1f: {  	s9 =	smul.u32 $0xF7A, s1;
	s8 =	simm.s32 @!p0 $0x1BF5;
	p2 =	por !p2, p0  }
0x20: {  	[sflag:s8] =	ssyncset.s32 @!p0 $0xFFFFF086;
	s6 =	sadd.s32 @!p0 s3, s7;
	s7 =	simm.s32 @!p0 $0x108  }
0x21: {  	s3 =	sadd.s32 s3, s9;
	s6 =	sadd.s32 @!p0 $0x88, s6;
	s7 =	simm.s32 @p2 $0x1082  }
0x22: {  	[simem:s7], [sflag:s8] =	dma.local @!p0 [hbm:s6], $0xF7A  }
0x23: {  	s9 =	sor.u32 $0xD0000000, s2;
	s6 =	simm.s32 $0x108;
	_ =	swait.ge @!p0 [sflag:s8], $0x0  }
0x24: {  	s3 =	sadd.s32 $0x88, s3;
	s6 =	simm.s32 @!p1 $0x1082;
	[sflag:s4] =	ssyncset.s32 $0xFFFFF086  }
0x25: {  	[simem:s6], [sflag:s4] =	dma.local [hbm:s3], $0xF7A  }
0x26: {  	[smem:$0x3F96] =	sst s1;
	(tag) =	ssettag s2;
	_ =	strace s9  }
0x27: {  	s1 =	sld [smem:$0x3FA6]  }
0x28: {  	s2 =	sld [smem:$0x3FA7]  }
0x29: {  	s4 =	sld [smem:$0x3FA9]  }
0x2a: {  	p0 =	seq.s32 s5, $0x0;
	s5 =	sld [smem:$0x3FAA]  }
0x2b: {  	s6 =	sld [smem:$0x3FAB]  }
0x2c: {  	s7 =	sld [smem:$0x3FAC]  }
0x2d: {  	s3 =	simm.s32 $0x108;
	s8 =	sld [smem:$0x3FAD]  }
0x2e: {  	s3 =	simm.s32 @!p0 $0x1082;
	s9 =	sld [smem:$0x3FAE]  }
0x2f: {  	lr =	sadd.s32 s0, s3;
	s0 =	sld [smem:$0x3FA5]  }
0x30: {  	s3 =	sld [smem:$0x3FA8]  }
0x31: {  	[smem:$0x3FB1] =	sst s10  }
0x32: {  	s10 =	sld [smem:$0x3FAF];
	_ =	sdelay $0x3  }
0x33: {  	p0 =	seq.s32 s10, $0x1;
	s10 =	sld [smem:$0x3FB1];
	_ =	sdelay $0x3  }
0x34: {  	[smem:$0x3FB1] =	sst s10  }
0x35: {  	s10 =	sld [smem:$0x3FB0];
	_ =	sdelay $0x3  }
0x36: {  	p1 =	seq.s32 s10, $0x1;
	s10 =	sld [smem:$0x3FB1];
	_ =	sdelay $0x3  }
0x37: {  	[smem:$0x3FB1] =	sst s10  }
0x38: {  	s10 =	sld [smem:$0x3FB2]  }
0x39: {  	_ = 	snop;
	(pc) =	sbr.ind lr, $3  }
0x3a: {  	_ = 	snop  }
0x3b: {  	_ = 	snop  }
0x3c: {  	p2 =	seq.s32 s10, $0x1;
	s10 =	sld [smem:$0x3FB1]  }
0x3d: {  	_ =	shalt  }
0x3e: {  	_ =	shalt  }
0x3f: {  	_ =	shalt  }
0x40: {  	_ =	shalt  }
0x41: {  	_ =	shalt  }
0x42: {  	_ =	shalt  }
0x43: {  	_ =	shalt  }
0x44: {  	_ =	shalt  }
0x45: {  	_ =	shalt  }
0x46: {  	_ =	shalt  }
0x47: {  	_ =	shalt  }
0x48: {  	_ =	shalt  }
0x49: {  	_ =	shalt  }
0x4a: {  	_ =	shalt  }
0x4b: {  	_ =	shalt  }
0x4c: {  	_ =	shalt  }
0x4d: {  	_ =	shalt  }
0x4e: {  	_ =	shalt  }
0x4f: {  	_ =	shalt  }
0x50: {  	_ =	shalt  }
0x51: {  	_ =	shalt  }
0x52: {  	_ =	shalt  }
0x53: {  	_ =	shalt  }
0x54: {  	_ =	shalt  }
0x55: {  	_ =	shalt  }
0x56: {  	_ =	shalt  }
0x57: {  	_ =	shalt  }
0x58: {  	_ =	shalt  }
0x59: {  	_ =	shalt  }
0x5a: {  	_ =	shalt  }
0x5b: {  	_ =	shalt  }
0x5c: {  	_ =	shalt  }
0x5d: {  	_ =	shalt  }
0x5e: {  	_ =	shalt  }
0x5f: {  	_ =	shalt  }
0x60: {  	_ =	shalt  }
0x61: {  	_ =	shalt  }
0x62: {  	_ =	shalt  }
0x63: {  	_ =	shalt  }
0x64: {  	_ =	shalt  }
0x65: {  	_ =	shalt  }
0x66: {  	_ =	shalt  }
0x67: {  	_ =	shalt  }
0x68: {  	_ =	shalt  }
0x69: {  	_ =	shalt  }
0x6a: {  	_ =	shalt  }
0x6b: {  	_ =	shalt  }
0x6c: {  	_ =	shalt  }
0x6d: {  	_ =	shalt  }
0x6e: {  	_ =	shalt  }
0x6f: {  	_ =	shalt  }
0x70: {  	_ =	shalt  }
0x71: {  	_ =	shalt  }
0x72: {  	_ =	shalt  }
0x73: {  	_ =	shalt  }
0x74: {  	_ =	shalt  }
0x75: {  	_ =	shalt  }
0x76: {  	_ =	shalt  }
0x77: {  	_ =	shalt  }
0x78: {  	_ =	shalt  }
0x79: {  	_ =	shalt  }
0x7a: {  	_ =	shalt  }
0x7b: {  	_ =	shalt  }
0x7c: {  	_ =	shalt  }
0x7d: {  	_ =	shalt  }
0x7e: {  	_ =	shalt  }
0x7f: {  	_ =	shalt  }
0x80: {  	_ =	shalt  }
0x81: {  	_ =	shalt  }
0x82: {  	_ =	shalt  }
0x83: {  	_ =	shalt  }
0x84: {  	_ =	shalt  }
0x85: {  	_ =	shalt  }
0x86: {  	_ =	shalt  }
0x87: {  	_ =	shalt  }
.Lfunc_end0:
.L_simem_size_0:
called_computation_lowered:
.L_overlay_start_0:
0x88: {  	s2 =	sld [smem:$0x3FD9]  }
0x89: {  	s3 =	sld [smem:$0x3FFE];
	_ =	sdelay $0x1  }
0x8a: {  	s1 =	srdreg.scid  }
0x8b: {  	s0 =	sand.u32 $0x1, s1  }
0x8c: {  	s17 =	sshll.u32 s0, $0xA;
	s2 =	sadd.s32 s3, s2  }
0x8d: {  	s2 =	sadd.s32 s2, s17  }
0x8e: {  	[smem:$0x3FBD] =	sst s2  }
0x8f: {  	_ = 	snop  }
0x90: {  	s2 =	sld [smem:$0x3FC9];
	(tm) =	ssettm $0x1  }
0x91: {  	s18 =	sld [smem:$0x3FFB];
	_ =	sdelay $0x3  }
0x92: {  	_ =	strace s18  }
0x93: {  	s3 =	sld [smem:$0x3FFC];
	_ =	sdelay $0x3  }
0x94: {  	_ =	strace s3  }
0x95: {  	s3 =	sld [smem:$0x3FFD];
	_ =	sdelay $0x3  }
0x96: {  	_ =	strace s3  }
0x97: {  	_ =	strace $0x8FFFFFFF  }
0x98: {  	s19 =	sld [smem:$0x3FDB];
	_ =	sdelay $0x1  }
0x99: {  	s4 =	simm.s32 $_scs_section_size  }
0x9a: {  	s5 =	simm.s32 $_size__tile_overlayer_lowered;
	s6 =	simm.s32 $_tile_overlayer_lowered  }
0x9b: {  	s22 =	simm.s32 $0x1BFF;
	s21 =	sshll.u32 s6, $0x1;
	s3 =	sadd.s32 s4, s19  }
0x9c: {  	s7 =	simm.s32 $0x0;
	s20 =	sshll.u32 s5, $0x1;
	s5 =	sadd.s32 s21, s3  }
0x9d: {  	[timem:s7], [sflag:s22] =	dma.local [hbm:s5], s20  }
0x9e: {  	_ =	swait.ge [sflag:s22], s20  }
0x9f: {  	s4 =	ssub.s32 $0x0, s20;
	[sflag:s22] =	ssyncset.done $0x0  }
0xa0: {  	[sflag:s22] =	ssyncadd.s32 s4;
	_ =	sdelay $0x1  }
0xa1: {  	s23 =	simm.s32 $0x1B8B  }
0xa2: {  	_ =	swait.ge [sflag:s23], $0x1  }
0xa3: {  	[sflag:s23] =	ssyncset.done $0x0  }
0xa4: {  	s25 =	simm.s32 $0x1B8E;
	s24 =	sld [smem:$0x3FFE];
	[sflag:s23] =	ssyncadd.s32 $0xFFFFFFFF  }
0xa5: {  	s26 =	simm.s32 $execute0_lowered;
	[smem:$0x3FD2] =	sst s25  }
0xa6: {  	s5 =	sshll.u32 s26, $0x1;
	_ =	strace $0x80000046;
	[dreg:$0x1] =	wrdreg $0xFFFFFFFF  }
0xa7: {  	s28 =	simm.s32 $_size_execute0_lowered;
	s3 =	sadd.s32 s3, s5;
	[dreg:$0x0] =	wrdreg $0x0  }
0xa8: {  	s5 =	sshll.u32 s28, $0x1;
	[dreg:$0x2] =	wrdreg s3  }
0xa9: {  	[dreg:$0x3] =	wrdreg s5  }
0xaa: {  	[dreg:$0x4] =	wrdreg $0xC0  }
0xab: {  	_ =	task [dreg:s7], $0x5FFFF  }
0xac: {  	[dreg:$0x1] =	wrdreg $0xFFFFFFFF  }
0xad: {  	[dreg:$0x0] =	wrdreg $0x60  }
0xae: {  	[dreg:$0x2] =	wrdreg s2  }
0xaf: {  	[dreg:$0x3] =	wrdreg s24  }
0xb0: {  	[dreg:$0x4] =	wrdreg $0x12D000  }
0xb1: {  	[dreg:$0x5] =	wrdreg $0x1CD000  }
0xb2: {  	[dreg:$0x6] =	wrdreg $0x9  }
0xb3: {  	_ =	task.clear_ibuf [dreg:s7], $0x7FFFF;
	_ =	strace $0x90000046  }
0xb4: {  	s29 =	simm.s32 $0x9;
	_ =	strace $0x80000048  }
0xb5: {  	_ =	swait.ge [sflag:s29], $0x1  }
0xb6: {  	[sflag:s29] =	ssyncadd.s32 $0xFFFFFFFF  }
0xb7: {  	_ =	strace $0x90000048  }
0xb8: {  	_ =	sfence  }
0xb9: {  	s30 =	sld [smem:$0x0];
	_ =	sdelay $0x2  }
0xba: {  	s31 =	sshll.u32 s1, $0xD;
	s1 =	sshrl.u32 s1, $0x2  }
0xbb: {  	s3 =	sand.u32 $0x4000, s31;
	s1 =	sadd.s32 s1, s30  }
0xbc: {  	s0 =	sor.u32 s3, s0;
	s1 =	sshll.u32 s1, $0x11  }
0xbd: {  	s0 =	sor.u32 s1, s0  }
0xbe: {  	s0 =	sadd.s32 $0x8F2B, s0  }
0xbf: {  	[sflag:s0] =	ssyncadd.remote.s32 $0x1  }
0xc0: {  	_ =	sfence.sel $0xFFFF  }
0xc1: {  	[dreg:$0x0] =	wrdreg $0xFFFFFFFF;
	(pc) =	sbr.abs _section_cstart, $3  }
0xc2: {  	[dreg:$0x1] =	wrdreg $0xFFFFFFFF  }
0xc3: {  	_ =	task.clear_ibuf [dreg:s7], $0x2FFFF;
	_ =	strace $0x9FFFFFFF  }
0xc4: {  	(tm) =	ssettm $0x7FFFFFFF  }
0xc5: {  	_ =	shalt  }
tec
execute0_lowered:
.L_overlay_start_1:
0x0: {  	(tag) =	ssettag $0x1  }
0x1: {  	s1 =	rddreg [dreg:$0x0]  }
0x2: {  	s0 =	rddreg [dreg:$0x1];
	s6 =	stileid.u32  }
0x3: {  	s4 =	srdreg.scid;
	s2 =	smul.u32 $0x9D0, s6  }
0x4: {  	s3 =	rddreg [dreg:$0x2];
	s9 =	smul.u32 $0xA000, s6  }
0x5: {  	s5 =	rddreg [dreg:$0x3];
	s14 =	smul.u32 $0x2800, s6  }
0x6: {  	s8 =	simm.s32 $0x0;
	s4 =	sand.u32 $0x1, s4;
	s11 =	smul.u32 $0x280, s6  }
0x7: {  	s31 =	simm.s32 $0x6;
	[smem:$0x7FF] =	sst s8;
	s7 =	smul.u32 $0xA0000, s4  }
0x8: {  	s22 =	smul.u32 $0x28000, s4;
	_ =	strace $0x80000047;
	s10 =	ssub.s32 $0x2, s4  }
0x9: {  	s2 =	sadd.s32 s2, s0;
	s24 =	sshrl.u32 s10, $0x1;
	s15 =	sadd.s32 $0x80, s11  }
0xa: {  	s28 =	sadd.s32 $0x100, s11;
	s17 =	sadd.s32 $0x180, s11;
	s18 =	sadd.s32 $0x200, s11  }
0xb: {  	s7 =	sadd.s32 s9, s7;
	s8 =	sadd.s32 s14, s22;
	s21 =	ssub.s32 s10, s24  }
0xc: {  	s25 =	sadd.s32 $0xC800, s2;
	s26 =	sshll.u32 s15, $0x6;
	s9 =	sadd.s32 s9, s3  }
0xd: {  	s12 =	sshll.u32 s28, $0x6;
	s29 =	sshll.u32 s17, $0x6;
	s13 =	sshll.u32 s18, $0x6  }
0xe: {  	s15 =	sshll.u32 s15, $0x4;
	s14 =	sadd.s32 s14, s5;
	s30 =	sshll.u32 s17, $0x4  }
0xf: {  	s18 =	sshll.u32 s18, $0x4;
	s22 =	simm.s32 $0x5;
	s24 =	simm.s32 $0x9D00  }
0x10: {  	s7 =	sshrl.u32 s7, $0x3;
	s23 =	sshrl.u32 s8, $0x3;
	[dreg:$0x5] =	wrdreg s25  }
0x11: {  	s8 =	sadd.s32 $0x2A00, s2;
	s10 =	sadd.s32 s26, s3;
	s11 =	sadd.s32 s12, s3  }
0x12: {  	s12 =	sadd.s32 s29, s3;
	s13 =	sadd.s32 s13, s3;
	s15 =	sadd.s32 s15, s5  }
0x13: {  	s2 =	sshll.u32 s28, $0x4;
	s17 =	sadd.s32 s30, s5;
	s18 =	sadd.s32 s18, s5  }
0x14: {  	s21 =	smax.u32 s21, $0x1;
	s25 =	simm.s32 $0x12500;
	s26 =	simm.s32 $0x80  }
0x15: {  	s19 =	sadd.s32 s7, s0;
	s0 =	sadd.s32 s23, s0;
	s16 =	sadd.s32 s2, s5  }
0x16: {  	v1 =	vimm.f32 $0.0e+00;
	v2 =	vimm.f32 $1.000000000e+00;
	v0 =	vmov s4;
	s2 =	simm.s32 $0x0;
	s19 =	sadd.s32 $0x20600, s19;
	s20 =	sadd.s32 $0x16600, s0  }
.LBB2_1:
0x17: {  	s0 =	simm.s32 $0x0;
	s6 =	rddreg [dreg:$0x5]  }
0x18: {  	[tilespmem:s0], [sflag:$0x5] =	stream.linear.gather [hbm4b:s6+s0], $0x4E80, $0x38;
	[tilespmem:$0x1F500] =	vst v63  }
0x19: {  	_ =	swait.ge [sflag:s22], $0x4E80  }
0x1a: {  	[sflag:s22] =	ssyncset.done $0x0  }
0x1b: {  	s30 =	simm.s32 $0x4E80;
	[sflag:s22] =	ssyncadd.s32 $0xFFFFB180  }
0x1c: {  	[tilespmem:s30], [sflag:$0x5] =	stream.linear.gather [hbm4b:s8+s0], $0x4E80, $0x38;
	[tilespmem:$0x1F500] =	vst v63  }
0x1d: {  	_ =	swait.ge [sflag:s22], $0x4E80  }
0x1e: {  	[sflag:s22] =	ssyncset.done $0x0  }
0x1f: {  	s0 =	simm.s32 $0x0;
	[sflag:s22] =	ssyncadd.s32 $0xFFFFB180  }
0x20: {  	v4 =	vld [tilespmem:s0+$0x0]  }
0x21: {  	v5 =	vld [tilespmem:s0+$0x10]  }
0x22: {  	v7 =	vld [tilespmem:s0+$0x20]  }
0x23: {  	v6 =	vld [tilespmem:s0+$0x30]  }
0x24: {  	v3 =	vld [tilespmem:s0+$0x40]  }
0x25: {  	v8 =	vshll.u32 v4, $0x1;
	v4 =	vld [tilespmem:s0+$0x50]  }
0x26: {  	s23 =	simm.s32 $0x200;
	v9 =	vshll.u32 v5, $0x1;
	v5 =	vld [tilespmem:s0+$0x60];
	v8 =	vor.u32 v0, v8  }
.LBB2_2:
0x27: {  	s28 =	sshra.s32 s23, $0x2;
	p0 =	sne.s32 s23, $0x13800;
	[tilespmem:s0+$0x0] =	vst v8;
	v8 =	vor.u32 v0, v9;
	v7 =	vshll.u32 v7, $0x1;
	v9 =	vld [tilespmem:s0+$0x70]  }
0x28: {  	v10 =	vld [tilespmem:s28+$0x0];
	[tilespmem:s0+$0x10] =	vst v8;
	v7 =	vor.u32 v0, v7;
	v6 =	vshll.u32 v6, $0x1  }
0x29: {  	v11 =	vld [tilespmem:s28+$0x10];
	[tilespmem:s0+$0x20] =	vst v7;
	v6 =	vor.u32 v0, v6;
	v3 =	vshll.u32 v3, $0x1  }
.Ltmp0:
0x2a: {  	v7 =	vld [tilespmem:s28+$0x20];
	[tilespmem:s0+$0x30] =	vst v6;
	v3 =	vor.u32 v0, v3;
	v4 =	vshll.u32 v4, $0x1;
	(pc) =	sbr.rel @p0 .LBB2_2-.Ltmp0, $4  }
0x2b: {  	v6 =	vld [tilespmem:s28+$0x30];
	[tilespmem:s0+$0x40] =	vst v3;
	v4 =	vor.u32 v0, v4;
	v5 =	vshll.u32 v5, $0x1  }
0x2c: {  	v3 =	vld [tilespmem:s28+$0x40];
	[tilespmem:s0+$0x50] =	vst v4;
	v5 =	vor.u32 v0, v5;
	v8 =	vshll.u32 v9, $0x1  }
0x2d: {  	v9 =	vshll.u32 v10, $0x1;
	v4 =	vld [tilespmem:s28+$0x50];
	[tilespmem:s0+$0x60] =	vst v5;
	v10 =	vor.u32 v0, v8  }
0x2e: {  	s23 =	sadd.s32 $0x200, s23;
	v8 =	vor.u32 v0, v9;
	v9 =	vshll.u32 v11, $0x1;
	v5 =	vld [tilespmem:s28+$0x60];
	[tilespmem:s0+$0x70] =	vst v10;
	s0 =	smov.u32 s28  }
0x2f: {  	[tilespmem:s0+$0x0] =	vst v8;
	v60 =	vor.u32 v0, v9;
	v7 =	vshll.u32 v7, $0x1;
	v61 =	vld [tilespmem:s0+$0x70]  }
0x30: {  	[tilespmem:s0+$0x10] =	vst v60;
	v7 =	vor.u32 v0, v7;
	v6 =	vshll.u32 v6, $0x1  }
0x31: {  	[tilespmem:s0+$0x20] =	vst v7;
	v6 =	vor.u32 v0, v6;
	v3 =	vshll.u32 v3, $0x1  }
0x32: {  	[tilespmem:s0+$0x30] =	vst v6;
	v3 =	vor.u32 v0, v3;
	v4 =	vshll.u32 v4, $0x1  }
0x33: {  	[tilespmem:s0+$0x40] =	vst v3;
	v3 =	vor.u32 v0, v4;
	v62 =	vshll.u32 v5, $0x1  }
0x34: {  	[tilespmem:s0+$0x50] =	vst v3;
	v3 =	vor.u32 v0, v62;
	v63 =	vshll.u32 v61, $0x1  }
0x35: {  	[tilespmem:s0+$0x60] =	vst v3;
	v3 =	vor.u32 v0, v63  }
0x36: {  	s23 =	simm.s32 $0x100;
	[tilespmem:s0+$0x70] =	vst v3;
	s0 =	simm.s32 $0x0  }
.LBB2_4:
0x37: {  	p0 =	sne.s32 s23, $0x7F00;
	[tilespmem:s0+$0x9D30] =	vst v1;
	s28 =	smov.u32 s23;
	s23 =	sadd.s32 $0x100, s23  }
.Ltmp1:
0x38: {  	[tilespmem:s0+$0x9D20] =	vst v1;
	(pc) =	sbr.rel @p0 .LBB2_4-.Ltmp1, $3  }
0x39: {  	[tilespmem:s0+$0x9D00] =	vst v1  }
0x3a: {  	[tilespmem:s0+$0x9D10] =	vst v1;
	_ =	sdelay $0x1  }
0x3b: {  	s0 =	sshra.s32 s28, $0x2  }
0x3c: {  	[tilespmem:s0+$0x9D30] =	vst v1  }
0x3d: {  	[tilespmem:s0+$0x9D20] =	vst v1  }
0x3e: {  	[tilespmem:s0+$0x9D00] =	vst v1  }
0x3f: {  	[tilespmem:s0+$0x9D10] =	vst v1  }
0x40: {  	[spmem:s9] =	stream.linear.scatter [tilespmem:s24], [sflag:$0x5], $0x2000, $0x38;
	[tilespmem:$0x1F500] =	vst v63  }
0x41: {  	_ =	swait.ge [sflag:s22], $0x2000  }
0x42: {  	[sflag:s22] =	ssyncset.done $0x0  }
0x43: {  	[sflag:s22] =	ssyncadd.s32 $0xFFFFE000  }
0x44: {  	[spmem:s10] =	stream.linear.scatter [tilespmem:s24], [sflag:$0x5], $0x2000, $0x38;
	[tilespmem:$0x1F500] =	vst v63  }
0x45: {  	_ =	swait.ge [sflag:s22], $0x2000  }
0x46: {  	[sflag:s22] =	ssyncset.done $0x0  }
0x47: {  	[sflag:s22] =	ssyncadd.s32 $0xFFFFE000  }
0x48: {  	[spmem:s11] =	stream.linear.scatter [tilespmem:s24], [sflag:$0x5], $0x2000, $0x38;
	[tilespmem:$0x1F500] =	vst v63  }
0x49: {  	_ =	swait.ge [sflag:s22], $0x2000  }
0x4a: {  	[sflag:s22] =	ssyncset.done $0x0  }
0x4b: {  	[sflag:s22] =	ssyncadd.s32 $0xFFFFE000  }
0x4c: {  	[spmem:s12] =	stream.linear.scatter [tilespmem:s24], [sflag:$0x5], $0x2000, $0x38;
	[tilespmem:$0x1F500] =	vst v63  }
0x4d: {  	_ =	swait.ge [sflag:s22], $0x2000  }
0x4e: {  	[sflag:s22] =	ssyncset.done $0x0  }
0x4f: {  	[sflag:s22] =	ssyncadd.s32 $0xFFFFE000  }
0x50: {  	[spmem:s13] =	stream.linear.scatter [tilespmem:s24], [sflag:$0x5], $0x2000, $0x38;
	[tilespmem:$0x1F500] =	vst v63  }
0x51: {  	_ =	swait.ge [sflag:s22], $0x2000  }
0x52: {  	[sflag:s22] =	ssyncset.done $0x0  }
0x53: {  	s0 =	simm.s32 $0x40;
	s23 =	simm.s32 $0x0;
	[sflag:s22] =	ssyncadd.s32 $0xFFFFE000  }
.LBB2_6:
0x54: {  	p0 =	sne.s32 s0, $0x1FC0;
	[tilespmem:s23+$0x12500] =	vst v1;
	s28 =	smov.u32 s0;
	s0 =	sadd.s32 $0x40, s0  }
.Ltmp2:
0x55: {  	[tilespmem:s23+$0x11D00] =	vst v2;
	(pc) =	sbr.rel @p0 .LBB2_6-.Ltmp2, $2  }
0x56: {  	_ =	sdelay $0x2  }
0x57: {  	s23 =	sshra.s32 s28, $0x2  }
0x58: {  	[tilespmem:s23+$0x12500] =	vst v1  }
0x59: {  	[tilespmem:s23+$0x11D00] =	vst v2  }
0x5a: {  	[spmem:s14] =	stream.linear.scatter [tilespmem:s25], [sflag:$0x5], $0x800, $0x38;
	[tilespmem:$0x1F500] =	vst v63  }
0x5b: {  	_ =	swait.ge [sflag:s22], $0x800  }
0x5c: {  	[sflag:s22] =	ssyncset.done $0x0  }
0x5d: {  	[sflag:s22] =	ssyncadd.s32 $0xFFFFF800  }
0x5e: {  	[spmem:s15] =	stream.linear.scatter [tilespmem:s25], [sflag:$0x5], $0x800, $0x38;
	[tilespmem:$0x1F500] =	vst v63  }
0x5f: {  	_ =	swait.ge [sflag:s22], $0x800  }
0x60: {  	[sflag:s22] =	ssyncset.done $0x0  }
0x61: {  	[sflag:s22] =	ssyncadd.s32 $0xFFFFF800  }
0x62: {  	[spmem:s16] =	stream.linear.scatter [tilespmem:s25], [sflag:$0x5], $0x800, $0x38;
	[tilespmem:$0x1F500] =	vst v63  }
0x63: {  	_ =	swait.ge [sflag:s22], $0x800  }
0x64: {  	[sflag:s22] =	ssyncset.done $0x0  }
0x65: {  	[sflag:s22] =	ssyncadd.s32 $0xFFFFF800  }
0x66: {  	[spmem:s17] =	stream.linear.scatter [tilespmem:s25], [sflag:$0x5], $0x800, $0x38;
	[tilespmem:$0x1F500] =	vst v63  }
0x67: {  	_ =	swait.ge [sflag:s22], $0x800  }
0x68: {  	[sflag:s22] =	ssyncset.done $0x0  }
0x69: {  	[sflag:s22] =	ssyncadd.s32 $0xFFFFF800  }
0x6a: {  	[spmem:s18] =	stream.linear.scatter [tilespmem:s25], [sflag:$0x5], $0x800, $0x38;
	[tilespmem:$0x1F500] =	vst v63  }
0x6b: {  	_ =	swait.ge [sflag:s22], $0x800  }
0x6c: {  	[sflag:s22] =	ssyncset.done $0x0  }
0x6d: {  	s0 =	simm.s32 $0x0;
	[sflag:s22] =	ssyncadd.s32 $0xFFFFF800  }
0x6e: {  	[tilespmem:s24], [sflag:$0x1] =	stream.indirect.gather [hbm4b:s1+s26], $0x40, s0, s26, $0xb8;
	[tilespmem:$0x1F500] =	vst v63  }
0x6f: {  	s6 =	simm.s32 $0xBD00  }
0x70: {  	[tilespmem:s6], [sflag:$0x2] =	stream.indirect.gather [hbm4b:s1+s26], $0x40, s26, s26, $0xb8;
	[tilespmem:$0x1F500] =	vst v63  }
0x71: {  	s30 =	simm.s32 $0x100;
	s7 =	simm.s32 $0xDD00  }
0x72: {  	[tilespmem:s7], [sflag:$0x3] =	stream.indirect.gather [hbm4b:s1+s26], $0x40, s30, s26, $0xb8;
	[tilespmem:$0x1F500] =	vst v63  }
0x73: {  	s23 =	simm.s32 $0x4E80;
	s28 =	simm.s32 $0x180;
	[bflag:$0x0] =	sbarrier.arrive $0xFFFF  }
.LBB2_8:
0x74: {  	s29 =	sand.u32 $0x3, s0  }
0x75: {  	p0 =	sgt.s32 s29, $0x1  }
0x76: {  	p5 =	seq.s32 @p0 s29, $0x2  }
0x77: {  	p2 =	por !p5, !p0  }
0x78: {  	s6 =	simm.s32 @!p2 $0x0  }
0x79: {  	p6 =	sgt.u32 @!p2 s0, $0x99;
	s6 =	simm.s32 @p2 $0x1  }
0x7a: {  	s30 =	simm.s32 @!p2 $0x3;
	p1 =	por @p0 p6, !p5;
	[smem:$0x7FD] =	sst s6  }
0x7b: {  	p1 =	por p1, !p0;
	_ =	swait.ge @!p2 [sflag:s30], $0x2000  }
0x7c: {  	p3 =	por p5, !p0;
	s6 =	simm.s32 @!p1 $0xBD00;
	[sflag:s30] =	ssyncset.done @!p2 $0x0  }
0x7d: {  	[sflag:s30] =	ssyncadd.s32 @!p2 $0xFFFFE000;
	s30 =	simm.s32 @!p1 $0x80;
	p2 =	sgt.u32 @!p3 s0, $0x99  }
0x7e: {  	[tilespmem:s6], [sflag:$0x2] =	stream.indirect.gather @!p1 [hbm4b:s1+s30], $0x40, s28, s30, $0xb8;
	[tilespmem:$0x1F500] =	vst v63  }
0x7f: {  	s6 =	simm.s32 @!p2 $0x0  }
0x80: {  	s6 =	simm.s32 @p2 $0x1  }
0x81: {  	p2 =	por @p0 p2, p5;
	[smem:$0x7F8] =	sst s6;
	s6 =	simm.s32 @!p3 $0x4  }
0x82: {  	p2 =	por p2, !p0;
	_ =	swait.ge @!p3 [sflag:s6], $0x2000  }
0x83: {  	p4 =	seq.s32 @!p0 s29, $0x0;
	s30 =	simm.s32 @!p2 $0xDD00;
	[sflag:s6] =	ssyncset.done @!p3 $0x0  }
0x84: {  	[sflag:s6] =	ssyncadd.s32 @!p3 $0xFFFFE000;
	s6 =	simm.s32 @!p2 $0x80;
	p3 =	por !p4, p0  }
0x85: {  	[tilespmem:s30], [sflag:$0x3] =	stream.indirect.gather @!p2 [hbm4b:s1+s6], $0x40, s28, s6, $0xb8;
	[tilespmem:$0x1F500] =	vst v63  }
0x86: {  	s6 =	simm.s32 @!p1 $0xDD00;
	p1 =	sgt.u32 @!p3 s0, $0x99  }
0x87: {  	s7 =	simm.s32 @!p1 $0x0  }
0x88: {  	p6 =	por @p0 !p6, !p5;
	s7 =	simm.s32 @p1 $0x1  }
0x89: {  	[smem:$0x7FB] =	sst s7;
	s7 =	simm.s32 @!p6 $0x0  }
0x8a: {  	s7 =	simm.s32 @p6 $0x1  }
0x8b: {  	s29 =	simm.s32 @!p3 $0x1;
	[smem:$0x7F7] =	sst s7  }
0x8c: {  	_ =	swait.ge @!p3 [sflag:s29], $0x2000  }
0x8d: {  	s30 =	sld [smem:$0x7F7]  }
0x8e: {  	p6 =	por @!p0 p1, !p4;
	[sflag:s29] =	ssyncset.done @!p3 $0x0  }
0x8f: {  	p6 =	por p6, p0;
	[sflag:s29] =	ssyncadd.s32 @!p3 $0xFFFFE000  }
0x90: {  	s29 =	simm.s32 @!p6 $0x80;
	p1 =	seq.s32 s30, $0x1;
	s30 =	simm.s32 @!p6 $0xFD00  }
0x91: {  	[tilespmem:s30], [sflag:$0x4] =	stream.indirect.gather @!p6 [hbm4b:s1+s29], $0x40, s28, s29, $0xb8;
	[tilespmem:$0x1F500] =	vst v63  }
0x92: {  	s29 =	sld [smem:$0x7F8];
	_ =	sdelay $0x2  }
0x93: {  	s30 =	simm.s32 @!p2 $0xFD00;
	p2 =	seq.s32 s29, $0x1  }
0x94: {  	p1 =	por !p1, !p0;
	p2 =	por @p0 !p2, p5  }
0x95: {  	s6 =	simm.s32 @p1 $0xDD00;
	p1 =	por p4, p0;
	p2 =	por !p2, !p0  }
0x96: {  	p5 =	sgt.u32 @!p1 s0, $0x99;
	s7 =	simm.s32 @!p2 $0x0  }
0x97: {  	s7 =	simm.s32 @p2 $0x1;
	p2 =	por @!p0 p5, p4  }
0x98: {  	s29 =	simm.s32 @!p1 $0x2;
	[smem:$0x7F9] =	sst s7;
	s7 =	simm.s32 @!p2 $0x0  }
0x99: {  	_ =	swait.ge @!p1 [sflag:s29], $0x2000;
	s7 =	simm.s32 @p2 $0x1  }
0x9a: {  	[smem:$0x7FA] =	sst s7  }
0x9b: {  	s7 =	sld [smem:$0x7F9];
	_ =	sdelay $0x2  }
0x9c: {  	p2 =	seq.s32 s7, $0x1;
	s7 =	sld [smem:$0x7FA];
	_ =	sdelay $0x2  }
0x9d: {  	s30 =	simm.s32 @p2 $0xFD00;
	p2 =	seq.s32 s7, $0x1  }
0x9e: {  	[sflag:s29] =	ssyncset.done @!p1 $0x0;
	p2 =	por p2, p0  }
0x9f: {  	[sflag:s29] =	ssyncadd.s32 @!p1 $0xFFFFE000;
	s29 =	simm.s32 @!p2 $0x80;
	s7 =	simm.s32 @!p2 $0x9D00  }
0xa0: {  	[tilespmem:s7], [sflag:$0x1] =	stream.indirect.gather @!p2 [hbm4b:s1+s29], $0x40, s28, s29, $0xb8;
	[tilespmem:$0x1F500] =	vst v63  }
0xa1: {  	s7 =	sld [smem:$0x7FB];
	_ =	sdelay $0x1  }
0xa2: {  	[smem:$0x7FC] =	sst s2  }
0xa3: {  	s2 =	sld [smem:$0x7FD];
	p1 =	seq.s32 s7, $0x1  }
0xa4: {  	s29 =	simm.s32 @!p6 $0x9D00;
	p1 =	por @!p0 !p1, !p4;
	p4 =	por @!p0 !p5, p4  }
0xa5: {  	s7 =	simm.s32 @!p2 $0xBD00;
	p1 =	por !p1, p0;
	p2 =	por !p4, p0  }
0xa6: {  	s29 =	simm.s32 @p1 $0x9D00;
	s7 =	simm.s32 @p2 $0xBD00;
	p1 =	seq.s32 s2, $0x1  }
0xa7: {  	s6 =	smov.u32 @p1 s30;
	s29 =	smov.u32 @p3 s7  }
0xa8: {  	s2 =	sld [smem:$0x7FC];
	s29 =	smov.u32 @p0 s6  }
0xa9: {  	[spmem:s3] =	stream.indirect.scatter.add.f32 [tilespmem:s29], [sflag:$0x6], $0x40, s23, s26, $0xb8;
	[tilespmem:$0x1F500] =	vst v63  }
0xaa: {  	s30 =	sand.u32 $0x1, s0;
	s0 =	sadd.s32 $0x1, s0;
	_ =	swait.ge [sflag:s31], $0x2000  }
0xab: {  	p0 =	sne.s32 s30, s4;
	p1 =	sne.s32 s0, $0x9D;
	[sflag:s31] =	ssyncset.done $0x0  }
0xac: {  	s6 =	simm.s32 @!p0 $0x80;
	s7 =	simm.s32 @!p0 $0x11D00;
	[sflag:s31] =	ssyncadd.s32 $0xFFFFE000  }
0xad: {  	[spmem:s5] =	stream.indirect.scatter.add.f32 @!p0 [tilespmem:s7], [sflag:$0x5], $0x10, s23, s6, $0xb8;
	[tilespmem:$0x1F500] =	vst v63  }
.Ltmp3:
0xae: {  	_ = 	snop;
	(pc) =	sbr.rel @p1 .LBB2_8-.Ltmp3, $4  }
0xaf: {  	s6 =	simm.s32 @!p0 $0x5  }
0xb0: {  	_ =	swait.ge @!p0 [sflag:s6], $0x800  }
0xb1: {  	[sflag:s6] =	ssyncset.done @!p0 $0x0  }
0xb2: {  	s28 =	sadd.s32 $0x80, s28;
	s23 =	sadd.s32 $0x80, s23;
	[sflag:s6] =	ssyncadd.s32 @!p0 $0xFFFFF800  }
0xb3: {  	s0 =	stileid.u32  }
0xb4: {  	s0 =	sshll.u32 s0, $0x6  }
0xb5: {  	[bflag:$0x0] =	sbarrier.arrive $0xFFFF;
	s6 =	sshrl.u32 s9, $0x3;
	s0 =	sor.u32 $0x1C05, s0  }
0xb6: {  	[hbm:s19], [sflag:s0] =	dma.local [spmem:s6], $0x1400  }
0xb7: {  	s2 =	sadd.s32 $0x1, s2;
	_ =	swait.ge [sflag:s22], $0x1400  }
0xb8: {  	p0 =	sne.s32 s2, s21;
	[sflag:s22] =	ssyncset.done $0x0  }
.Ltmp4:
0xb9: {  	s30 =	sshrl.u32 s14, $0x3;
	[sflag:s22] =	ssyncadd.s32 $0xFFFFEC00;
	(pc) =	sbr.rel @p0 .LBB2_1-.Ltmp4, $4  }
0xba: {  	[hbm:s20], [sflag:s0] =	dma.local [spmem:s30], $0x500  }
0xbb: {  	_ =	swait.ge [sflag:s22], $0x500  }
0xbc: {  	[sflag:s22] =	ssyncset.done $0x0  }
0xbd: {  	[sflag:s22] =	ssyncadd.s32 $0xFFFFFB00  }
0xbe: {  	_ =	sfence.sel $0x180000  }
0xbf: {  	[bflag:$0x0] =	sbarrier.arrive $0xFFFF  }
0xc0: {  	_ =	strace $0x90000047  }
0xc1: {  	s0 =	stileid.u32;
	[bflag:$0x2] =	sbarrier.arrive $0xFFFF  }
0xc2: {  	p0 =	sne.s32 s0, $0x0;
	s0 =	rddreg [dreg:$0x4]  }
0xc3: {  	s0 =	sadd.s32 @!p0 $0x100000, s0  }
0xc4: {  	[sflag:s0] =	ssyncadd.tile.s32 @!p0 $0x1;
	_ =	shalt  }
.Lfunc_end2:
_tile_overlayer_lowered:
.L_overlay_start_2:
0xc5: {  	(tag) =	ssettag $0x2  }
0xc6: {  	s0 =	rddreg [dreg:$0x0];
	s2 =	stileid.u32  }
0xc7: {  	s1 =	rddreg [dreg:$0x1];
	p0 =	sne.s32 s2, $0x0  }
0xc8: {  	s3 =	rddreg [dreg:$0x2];
	[bflag:$0x3] =	sbarrier.arrive $0xFFFF;
	s2 =	simm.s32 @!p0 $0x1C05  }
0xc9: {  	[timem:s3], [sflag:s2] =	dma.local @!p0 [hbm:s0], s1  }
0xca: {  	s0 =	simm.s32 @!p0 $0x5  }
0xcb: {  	_ =	swait.ge @!p0 [sflag:s0], s1  }
0xcc: {  	s1 =	ssub.s32 @!p0 $0x0, s1;
	[sflag:s0] =	ssyncset.done @!p0 $0x0  }
0xcd: {  	[sflag:s0] =	ssyncadd.s32 @!p0 s1  }
0xce: {  	[bflag:$0x3] =	sbarrier.arrive $0xFFFF  }
0xcf: {  	_ =	shalt  }

// kernel: kernel.9.cloned.1.call-start
scs
__scs_entry_jumppad:
0x0: {  	(pc) =	sbr.rel $0x88, $3  }
0x1: {  	(tag) =	ssettag $0x0;
	lr =	simm.s32 $0x1  }
0x2: {  	[smem:$0x3F96] =	sst lr;
	_ =	strace $0xD0000000  }
0x3: {  	_ = 	snop  }
0x4: {  	_ = 	snop  }
0x5: {  	_ = 	snop  }
0x6: {  	_ = 	snop  }
0x7: {  	_ = 	snop  }
__scs_overlays_trampoline_lowered:
0x8: {  	[smem:$0x3FA5] =	sst s0  }
0x9: {  	[smem:$0x3FA6] =	sst s1  }
0xa: {  	[smem:$0x3FA7] =	sst s2  }
0xb: {  	[smem:$0x3FA8] =	sst s3  }
0xc: {  	[smem:$0x3FA9] =	sst s4  }
0xd: {  	[smem:$0x3FAA] =	sst s5  }
0xe: {  	[smem:$0x3FAB] =	sst s6  }
0xf: {  	[smem:$0x3FAC] =	sst s7  }
0x10: {  	[smem:$0x3FAD] =	sst s8  }
0x11: {  	[smem:$0x3FAE] =	sst s9;
	s0 =	simm.s32 @!p0 $0x0  }
0x12: {  	s1 =	sld [smem:$0x3F94];
	s0 =	simm.s32 @p0 $0x1  }
0x13: {  	[smem:$0x3FAF] =	sst s0;
	s0 =	simm.s32 @!p1 $0x0  }
0x14: {  	s2 =	sld [smem:$0x3F93];
	s0 =	simm.s32 @p1 $0x1  }
0x15: {  	[smem:$0x3FB0] =	sst s0;
	s0 =	simm.s32 @!p2 $0x0  }
0x16: {  	s3 =	sld [smem:$0x3FDB];
	s0 =	simm.s32 @p2 $0x1  }
0x17: {  	s4 =	simm.s32 $0x1BF5;
	[smem:$0x3FB2] =	sst s0  }
0x18: {  	s0 =	sld [smem:$0x3F95];
	_ =	swait.ge [sflag:s4], $0x0  }
0x19: {  	s7 =	sld [smem:$0x3F96]  }
0x1a: {  	s8 =	sadd.s32 $0xFFFFE003, lr  }
0x1b: {  	s9 =	sadd.s32 $0xFFFFFEF7, lr;
	s5 =	simm.s32 $0xFFFFFFFF;
	p2 =	slt.u32 s8, $0xFFFFF086  }
0x1c: {  	p1 =	slt.u32 s9, $0xF7A;
	s5 =	simm.s32 @!p2 $0x0  }
0x1d: {  	s5 =	simm.s32 @p1 $0x1;
	p0 =	seq.s32 s7, s2  }
0x1e: {  	s7 =	smul.u32 @!p0 $0xF7A, s2;
	p2 =	seq.s32 @!p0 s5, $0x0  }
0x1f: {  	s9 =	smul.u32 $0xF7A, s1;
	s8 =	simm.s32 @!p0 $0x1BF5;
	p2 =	por !p2, p0  }
0x20: {  	[sflag:s8] =	ssyncset.s32 @!p0 $0xFFFFF086;
	s6 =	sadd.s32 @!p0 s3, s7;
	s7 =	simm.s32 @!p0 $0x108  }
0x21: {  	s3 =	sadd.s32 s3, s9;
	s6 =	sadd.s32 @!p0 $0x88, s6;
	s7 =	simm.s32 @p2 $0x1082  }
0x22: {  	[simem:s7], [sflag:s8] =	dma.local @!p0 [hbm:s6], $0xF7A  }
0x23: {  	s9 =	sor.u32 $0xD0000000, s2;
	s6 =	simm.s32 $0x108;
	_ =	swait.ge @!p0 [sflag:s8], $0x0  }
0x24: {  	s3 =	sadd.s32 $0x88, s3;
	s6 =	simm.s32 @!p1 $0x1082;
	[sflag:s4] =	ssyncset.s32 $0xFFFFF086  }
0x25: {  	[simem:s6], [sflag:s4] =	dma.local [hbm:s3], $0xF7A  }
0x26: {  	[smem:$0x3F96] =	sst s1;
	(tag) =	ssettag s2;
	_ =	strace s9  }
0x27: {  	s1 =	sld [smem:$0x3FA6]  }
0x28: {  	s2 =	sld [smem:$0x3FA7]  }
0x29: {  	s4 =	sld [smem:$0x3FA9]  }
0x2a: {  	p0 =	seq.s32 s5, $0x0;
	s5 =	sld [smem:$0x3FAA]  }
0x2b: {  	s6 =	sld [smem:$0x3FAB]  }
0x2c: {  	s7 =	sld [smem:$0x3FAC]  }
0x2d: {  	s3 =	simm.s32 $0x108;
	s8 =	sld [smem:$0x3FAD]  }
0x2e: {  	s3 =	simm.s32 @!p0 $0x1082;
	s9 =	sld [smem:$0x3FAE]  }
0x2f: {  	lr =	sadd.s32 s0, s3;
	s0 =	sld [smem:$0x3FA5]  }
0x30: {  	s3 =	sld [smem:$0x3FA8]  }
0x31: {  	[smem:$0x3FB1] =	sst s10  }
0x32: {  	s10 =	sld [smem:$0x3FAF];
	_ =	sdelay $0x3  }
0x33: {  	p0 =	seq.s32 s10, $0x1;
	s10 =	sld [smem:$0x3FB1];
	_ =	sdelay $0x3  }
0x34: {  	[smem:$0x3FB1] =	sst s10  }
0x35: {  	s10 =	sld [smem:$0x3FB0];
	_ =	sdelay $0x3  }
0x36: {  	p1 =	seq.s32 s10, $0x1;
	s10 =	sld [smem:$0x3FB1];
	_ =	sdelay $0x3  }
0x37: {  	[smem:$0x3FB1] =	sst s10  }
0x38: {  	s10 =	sld [smem:$0x3FB2]  }
0x39: {  	_ = 	snop;
	(pc) =	sbr.ind lr, $3  }
0x3a: {  	_ = 	snop  }
0x3b: {  	_ = 	snop  }
0x3c: {  	p2 =	seq.s32 s10, $0x1;
	s10 =	sld [smem:$0x3FB1]  }
0x3d: {  	_ =	shalt  }
0x3e: {  	_ =	shalt  }
0x3f: {  	_ =	shalt  }
0x40: {  	_ =	shalt  }
0x41: {  	_ =	shalt  }
0x42: {  	_ =	shalt  }
0x43: {  	_ =	shalt  }
0x44: {  	_ =	shalt  }
0x45: {  	_ =	shalt  }
0x46: {  	_ =	shalt  }
0x47: {  	_ =	shalt  }
0x48: {  	_ =	shalt  }
0x49: {  	_ =	shalt  }
0x4a: {  	_ =	shalt  }
0x4b: {  	_ =	shalt  }
0x4c: {  	_ =	shalt  }
0x4d: {  	_ =	shalt  }
0x4e: {  	_ =	shalt  }
0x4f: {  	_ =	shalt  }
0x50: {  	_ =	shalt  }
0x51: {  	_ =	shalt  }
0x52: {  	_ =	shalt  }
0x53: {  	_ =	shalt  }
0x54: {  	_ =	shalt  }
0x55: {  	_ =	shalt  }
0x56: {  	_ =	shalt  }
0x57: {  	_ =	shalt  }
0x58: {  	_ =	shalt  }
0x59: {  	_ =	shalt  }
0x5a: {  	_ =	shalt  }
0x5b: {  	_ =	shalt  }
0x5c: {  	_ =	shalt  }
0x5d: {  	_ =	shalt  }
0x5e: {  	_ =	shalt  }
0x5f: {  	_ =	shalt  }
0x60: {  	_ =	shalt  }
0x61: {  	_ =	shalt  }
0x62: {  	_ =	shalt  }
0x63: {  	_ =	shalt  }
0x64: {  	_ =	shalt  }
0x65: {  	_ =	shalt  }
0x66: {  	_ =	shalt  }
0x67: {  	_ =	shalt  }
0x68: {  	_ =	shalt  }
0x69: {  	_ =	shalt  }
0x6a: {  	_ =	shalt  }
0x6b: {  	_ =	shalt  }
0x6c: {  	_ =	shalt  }
0x6d: {  	_ =	shalt  }
0x6e: {  	_ =	shalt  }
0x6f: {  	_ =	shalt  }
0x70: {  	_ =	shalt  }
0x71: {  	_ =	shalt  }
0x72: {  	_ =	shalt  }
0x73: {  	_ =	shalt  }
0x74: {  	_ =	shalt  }
0x75: {  	_ =	shalt  }
0x76: {  	_ =	shalt  }
0x77: {  	_ =	shalt  }
0x78: {  	_ =	shalt  }
0x79: {  	_ =	shalt  }
0x7a: {  	_ =	shalt  }
0x7b: {  	_ =	shalt  }
0x7c: {  	_ =	shalt  }
0x7d: {  	_ =	shalt  }
0x7e: {  	_ =	shalt  }
0x7f: {  	_ =	shalt  }
0x80: {  	_ =	shalt  }
0x81: {  	_ =	shalt  }
0x82: {  	_ =	shalt  }
0x83: {  	_ =	shalt  }
0x84: {  	_ =	shalt  }
0x85: {  	_ =	shalt  }
0x86: {  	_ =	shalt  }
0x87: {  	_ =	shalt  }
.Lfunc_end0:
.L_simem_size_0:
called_computation.1_lowered:
.L_overlay_start_0:
0x88: {  	s2 =	sld [smem:$0x3FD9]  }
0x89: {  	s3 =	sld [smem:$0x3FFE];
	_ =	sdelay $0x1  }
0x8a: {  	s1 =	srdreg.scid  }
0x8b: {  	s0 =	sand.u32 $0x1, s1  }
0x8c: {  	s16 =	sshll.u32 s0, $0xA;
	s2 =	sadd.s32 s3, s2  }
0x8d: {  	s2 =	sadd.s32 s2, s16  }
0x8e: {  	[smem:$0x3FBD] =	sst s2  }
0x8f: {  	_ = 	snop  }
0x90: {  	(tm) =	ssettm $0x1  }
0x91: {  	s17 =	sld [smem:$0x3FFB];
	_ =	sdelay $0x3  }
0x92: {  	_ =	strace s17  }
0x93: {  	s2 =	sld [smem:$0x3FFC];
	_ =	sdelay $0x3  }
0x94: {  	_ =	strace s2  }
0x95: {  	s2 =	sld [smem:$0x3FFD];
	_ =	sdelay $0x3  }
0x96: {  	_ =	strace s2  }
0x97: {  	_ =	strace $0x8FFFFFFF  }
0x98: {  	s18 =	sld [smem:$0x3FDB];
	_ =	sdelay $0x1  }
0x99: {  	s19 =	simm.s32 $_scs_section_size  }
0x9a: {  	s4 =	simm.s32 $_size__tile_overlayer_lowered;
	s5 =	simm.s32 $_tile_overlayer_lowered  }
0x9b: {  	s22 =	simm.s32 $0x1BFF;
	s21 =	sshll.u32 s5, $0x1;
	s2 =	sadd.s32 s19, s18  }
0x9c: {  	s6 =	simm.s32 $0x0;
	s20 =	sshll.u32 s4, $0x1;
	s4 =	sadd.s32 s21, s2  }
0x9d: {  	[timem:s6], [sflag:s22] =	dma.local [hbm:s4], s20  }
0x9e: {  	_ =	swait.ge [sflag:s22], s20  }
0x9f: {  	s3 =	ssub.s32 $0x0, s20;
	[sflag:s22] =	ssyncset.done $0x0  }
0xa0: {  	[sflag:s22] =	ssyncadd.s32 s3;
	_ =	sdelay $0x1  }
0xa1: {  	s23 =	simm.s32 $0x1B8B  }
0xa2: {  	_ =	swait.ge [sflag:s23], $0x1  }
0xa3: {  	[sflag:s23] =	ssyncset.done $0x0  }
0xa4: {  	s25 =	simm.s32 $0x1B8E;
	s24 =	sld [smem:$0x3FFE];
	[sflag:s23] =	ssyncadd.s32 $0xFFFFFFFF  }
0xa5: {  	s26 =	simm.s32 $execute0_lowered;
	[smem:$0x3FD2] =	sst s25  }
0xa6: {  	s4 =	sshll.u32 s26, $0x1;
	_ =	strace $0x80000049;
	[dreg:$0x1] =	wrdreg $0xFFFFFFFF  }
0xa7: {  	s28 =	simm.s32 $_size_execute0_lowered;
	s2 =	sadd.s32 s2, s4;
	[dreg:$0x0] =	wrdreg $0x0  }
0xa8: {  	s4 =	sshll.u32 s28, $0x1;
	[dreg:$0x2] =	wrdreg s2  }
0xa9: {  	[dreg:$0x3] =	wrdreg s4  }
0xaa: {  	[dreg:$0x4] =	wrdreg $0xC0  }
0xab: {  	_ =	task [dreg:s6], $0x5FFFF  }
0xac: {  	[dreg:$0x1] =	wrdreg $0xFFFFFFFF  }
0xad: {  	[dreg:$0x0] =	wrdreg $0x60  }
0xae: {  	[dreg:$0x2] =	wrdreg s24  }
0xaf: {  	[dreg:$0x3] =	wrdreg $0x11D000  }
0xb0: {  	[dreg:$0x4] =	wrdreg $0x9  }
0xb1: {  	_ =	task.clear_ibuf [dreg:s6], $0x5FFFF;
	_ =	strace $0x90000049  }
0xb2: {  	s29 =	simm.s32 $0x9;
	_ =	strace $0x8000004B  }
0xb3: {  	_ =	swait.ge [sflag:s29], $0x1  }
0xb4: {  	[sflag:s29] =	ssyncadd.s32 $0xFFFFFFFF  }
0xb5: {  	_ =	strace $0x9000004B  }
0xb6: {  	_ =	sfence  }
0xb7: {  	s30 =	sld [smem:$0x0];
	_ =	sdelay $0x2  }
0xb8: {  	s31 =	sshll.u32 s1, $0xD;
	s1 =	sshrl.u32 s1, $0x2  }
0xb9: {  	s3 =	sand.u32 $0x4000, s31;
	s1 =	sadd.s32 s1, s30  }
0xba: {  	s0 =	sor.u32 s3, s0;
	s1 =	sshll.u32 s1, $0x11  }
0xbb: {  	s0 =	sor.u32 s1, s0  }
0xbc: {  	s0 =	sadd.s32 $0x8F2B, s0  }
0xbd: {  	[sflag:s0] =	ssyncadd.remote.s32 $0x1  }
0xbe: {  	_ =	sfence.sel $0xFFFF  }
0xbf: {  	[dreg:$0x0] =	wrdreg $0xFFFFFFFF;
	(pc) =	sbr.abs _section_cstart, $3  }
0xc0: {  	[dreg:$0x1] =	wrdreg $0xFFFFFFFF  }
0xc1: {  	_ =	task.clear_ibuf [dreg:s6], $0x2FFFF;
	_ =	strace $0x9FFFFFFF  }
0xc2: {  	(tm) =	ssettm $0x7FFFFFFF  }
0xc3: {  	_ =	shalt  }
tec
execute0_lowered:
.L_overlay_start_1:
0x0: {  	(tag) =	ssettag $0x1  }
0x1: {  	s5 =	rddreg [dreg:$0x0]  }
0x2: {  	s2 =	rddreg [dreg:$0x1]  }
0x3: {  	s0 =	rddreg [dreg:$0x2];
	s1 =	stileid.u32  }
0x4: {  	s4 =	srdreg.scid;
	s3 =	simm.s32 $0x0;
	s14 =	simm.s32 $0x5  }
0x5: {  	s15 =	simm.s32 $0x4E80;
	s16 =	simm.s32 $0x9D00;
	s17 =	simm.s32 $0x80  }
0x6: {  	s18 =	simm.s32 $0xBD00;
	s20 =	simm.s32 $0xDD00;
	s7 =	smul.u32 $0xA000, s1  }
0x7: {  	s21 =	simm.s32 $0x0;
	s19 =	sand.u32 $0x1, s4;
	s8 =	smul.u32 $0x9D0, s1  }
0x8: {  	[smem:$0x7FF] =	sst s3;
	s4 =	sadd.s32 $0x16600, s5;
	s10 =	smul.u32 $0x28000, s1  }
0x9: {  	s6 =	smul.u32 $0xA0000, s19;
	_ =	strace $0x8000004A;
	s9 =	ssub.s32 $0x2, s19  }
0xa: {  	v0 =	vmov s19;
	s19 =	simm.s32 $0x100;
	s8 =	sadd.s32 s8, s5;
	s11 =	sshrl.u32 s9, $0x1  }
0xb: {  	s30 =	sshrl.u32 s10, $0x2;
	s6 =	sadd.s32 s7, s6;
	s13 =	ssub.s32 s9, s11  }
0xc: {  	s31 =	sadd.s32 s30, s2;
	s7 =	sadd.s32 s7, s2;
	s6 =	sshrl.u32 s6, $0x3  }
0xd: {  	s9 =	sadd.s32 $0x4000, s31;
	s10 =	sadd.s32 $0x6000, s31;
	s11 =	sadd.s32 $0x8000, s31  }
0xe: {  	s13 =	smax.u32 s13, $0x1;
	s12 =	sadd.s32 s6, s5;
	s5 =	sadd.s32 $0xC800, s8  }
0xf: {  	v1 =	vimm.f32 $0.0e+00;
	s6 =	sadd.s32 $0x2A00, s8;
	s8 =	sadd.s32 $0x2000, s31;
	s12 =	sadd.s32 $0x98600, s12  }
.LBB2_1:
0x10: {  	[tilespmem:s3], [sflag:$0x5] =	stream.linear.gather [hbm4b:s5+s3], $0x4E80, $0x38;
	[tilespmem:$0x1BD00] =	vst v63  }
0x11: {  	_ =	swait.ge [sflag:s14], $0x4E80  }
0x12: {  	[sflag:s14] =	ssyncset.done $0x0  }
0x13: {  	[sflag:s14] =	ssyncadd.s32 $0xFFFFB180  }
0x14: {  	[tilespmem:s15], [sflag:$0x5] =	stream.linear.gather [hbm4b:s6+s3], $0x4E80, $0x38;
	[tilespmem:$0x1BD00] =	vst v63  }
0x15: {  	_ =	swait.ge [sflag:s14], $0x4E80  }
0x16: {  	[sflag:s14] =	ssyncset.done $0x0  }
0x17: {  	s22 =	simm.s32 $0x0;
	[sflag:s14] =	ssyncadd.s32 $0xFFFFB180  }
0x18: {  	v3 =	vld [tilespmem:s22+$0x0]  }
0x19: {  	v4 =	vld [tilespmem:s22+$0x10]  }
0x1a: {  	v6 =	vld [tilespmem:s22+$0x20]  }
0x1b: {  	v5 =	vld [tilespmem:s22+$0x30]  }
0x1c: {  	v2 =	vld [tilespmem:s22+$0x40]  }
0x1d: {  	v7 =	vshll.u32 v3, $0x1;
	v3 =	vld [tilespmem:s22+$0x50]  }
0x1e: {  	s23 =	simm.s32 $0x200;
	v8 =	vshll.u32 v4, $0x1;
	v4 =	vld [tilespmem:s22+$0x60];
	v7 =	vor.u32 v0, v7  }
.LBB2_2:
0x1f: {  	s24 =	sshra.s32 s23, $0x2;
	p0 =	sne.s32 s23, $0x13800;
	[tilespmem:s22+$0x0] =	vst v7;
	v7 =	vor.u32 v0, v8;
	v6 =	vshll.u32 v6, $0x1;
	v8 =	vld [tilespmem:s22+$0x70]  }
0x20: {  	v9 =	vld [tilespmem:s24+$0x0];
	[tilespmem:s22+$0x10] =	vst v7;
	v6 =	vor.u32 v0, v6;
	v5 =	vshll.u32 v5, $0x1  }
0x21: {  	v10 =	vld [tilespmem:s24+$0x10];
	[tilespmem:s22+$0x20] =	vst v6;
	v5 =	vor.u32 v0, v5;
	v2 =	vshll.u32 v2, $0x1  }
.Ltmp0:
0x22: {  	v6 =	vld [tilespmem:s24+$0x20];
	[tilespmem:s22+$0x30] =	vst v5;
	v2 =	vor.u32 v0, v2;
	v3 =	vshll.u32 v3, $0x1;
	(pc) =	sbr.rel @p0 .LBB2_2-.Ltmp0, $4  }
0x23: {  	v5 =	vld [tilespmem:s24+$0x30];
	[tilespmem:s22+$0x40] =	vst v2;
	v3 =	vor.u32 v0, v3;
	v4 =	vshll.u32 v4, $0x1  }
0x24: {  	v2 =	vld [tilespmem:s24+$0x40];
	[tilespmem:s22+$0x50] =	vst v3;
	v4 =	vor.u32 v0, v4;
	v7 =	vshll.u32 v8, $0x1  }
0x25: {  	v8 =	vshll.u32 v9, $0x1;
	v3 =	vld [tilespmem:s24+$0x50];
	[tilespmem:s22+$0x60] =	vst v4;
	v9 =	vor.u32 v0, v7  }
0x26: {  	s23 =	sadd.s32 $0x200, s23;
	v7 =	vor.u32 v0, v8;
	v8 =	vshll.u32 v10, $0x1;
	v4 =	vld [tilespmem:s24+$0x60];
	[tilespmem:s22+$0x70] =	vst v9;
	s22 =	smov.u32 s24  }
0x27: {  	[tilespmem:s22+$0x0] =	vst v7;
	v62 =	vor.u32 v0, v8;
	v6 =	vshll.u32 v6, $0x1;
	v63 =	vld [tilespmem:s22+$0x70]  }
0x28: {  	[tilespmem:s22+$0x10] =	vst v62;
	v6 =	vor.u32 v0, v6;
	v5 =	vshll.u32 v5, $0x1  }
0x29: {  	[tilespmem:s22+$0x20] =	vst v6;
	v5 =	vor.u32 v0, v5;
	v2 =	vshll.u32 v2, $0x1  }
0x2a: {  	[tilespmem:s22+$0x30] =	vst v5;
	v2 =	vor.u32 v0, v2;
	v3 =	vshll.u32 v3, $0x1  }
0x2b: {  	[tilespmem:s22+$0x40] =	vst v2;
	v2 =	vor.u32 v0, v3;
	v3 =	vshll.u32 v4, $0x1  }
0x2c: {  	[tilespmem:s22+$0x50] =	vst v2;
	v2 =	vor.u32 v0, v3;
	v3 =	vshll.u32 v63, $0x1  }
0x2d: {  	[tilespmem:s22+$0x60] =	vst v2;
	v2 =	vor.u32 v0, v3  }
0x2e: {  	s23 =	simm.s32 $0x100;
	[tilespmem:s22+$0x70] =	vst v2;
	s22 =	simm.s32 $0x0  }
.LBB2_4:
0x2f: {  	p0 =	sne.s32 s23, $0x7F00;
	[tilespmem:s22+$0x9D30] =	vst v1;
	s24 =	smov.u32 s23;
	s23 =	sadd.s32 $0x100, s23  }
.Ltmp1:
0x30: {  	[tilespmem:s22+$0x9D20] =	vst v1;
	(pc) =	sbr.rel @p0 .LBB2_4-.Ltmp1, $3  }
0x31: {  	[tilespmem:s22+$0x9D00] =	vst v1  }
0x32: {  	[tilespmem:s22+$0x9D10] =	vst v1;
	_ =	sdelay $0x1  }
0x33: {  	s22 =	sshra.s32 s24, $0x2  }
0x34: {  	[tilespmem:s22+$0x9D30] =	vst v1  }
0x35: {  	[tilespmem:s22+$0x9D20] =	vst v1  }
0x36: {  	[tilespmem:s22+$0x9D00] =	vst v1  }
0x37: {  	[tilespmem:s22+$0x9D10] =	vst v1  }
0x38: {  	[spmem:s7] =	stream.linear.scatter [tilespmem:s16], [sflag:$0x5], $0x2000, $0x38;
	[tilespmem:$0x1BD00] =	vst v63  }
0x39: {  	_ =	swait.ge [sflag:s14], $0x2000  }
0x3a: {  	[sflag:s14] =	ssyncset.done $0x0  }
0x3b: {  	[sflag:s14] =	ssyncadd.s32 $0xFFFFE000  }
0x3c: {  	[spmem:s8] =	stream.linear.scatter [tilespmem:s16], [sflag:$0x5], $0x2000, $0x38;
	[tilespmem:$0x1BD00] =	vst v63  }
0x3d: {  	_ =	swait.ge [sflag:s14], $0x2000  }
0x3e: {  	[sflag:s14] =	ssyncset.done $0x0  }
0x3f: {  	[sflag:s14] =	ssyncadd.s32 $0xFFFFE000  }
0x40: {  	[spmem:s9] =	stream.linear.scatter [tilespmem:s16], [sflag:$0x5], $0x2000, $0x38;
	[tilespmem:$0x1BD00] =	vst v63  }
0x41: {  	_ =	swait.ge [sflag:s14], $0x2000  }
0x42: {  	[sflag:s14] =	ssyncset.done $0x0  }
0x43: {  	[sflag:s14] =	ssyncadd.s32 $0xFFFFE000  }
0x44: {  	[spmem:s10] =	stream.linear.scatter [tilespmem:s16], [sflag:$0x5], $0x2000, $0x38;
	[tilespmem:$0x1BD00] =	vst v63  }
0x45: {  	_ =	swait.ge [sflag:s14], $0x2000  }
0x46: {  	[sflag:s14] =	ssyncset.done $0x0  }
0x47: {  	[sflag:s14] =	ssyncadd.s32 $0xFFFFE000  }
0x48: {  	[spmem:s11] =	stream.linear.scatter [tilespmem:s16], [sflag:$0x5], $0x2000, $0x38;
	[tilespmem:$0x1BD00] =	vst v63  }
0x49: {  	_ =	swait.ge [sflag:s14], $0x2000  }
0x4a: {  	[sflag:s14] =	ssyncset.done $0x0  }
0x4b: {  	s22 =	simm.s32 $0x0;
	[sflag:s14] =	ssyncadd.s32 $0xFFFFE000  }
0x4c: {  	[tilespmem:s16], [sflag:$0x1] =	stream.indirect.gather [hbm4b:s4+s17], $0x40, s22, s17, $0xb8;
	[tilespmem:$0x1BD00] =	vst v63  }
0x4d: {  	_ = 	snop  }
0x4e: {  	[tilespmem:s18], [sflag:$0x2] =	stream.indirect.gather [hbm4b:s4+s17], $0x40, s17, s17, $0xb8;
	[tilespmem:$0x1BD00] =	vst v63  }
0x4f: {  	_ = 	snop  }
0x50: {  	[tilespmem:s20], [sflag:$0x3] =	stream.indirect.gather [hbm4b:s4+s17], $0x40, s19, s17, $0xb8;
	[tilespmem:$0x1BD00] =	vst v63  }
0x51: {  	s23 =	simm.s32 $0x180;
	s24 =	simm.s32 $0x4E80;
	[bflag:$0x0] =	sbarrier.arrive $0xFFFF  }
.LBB2_6:
0x52: {  	s25 =	sand.u32 $0x3, s22  }
0x53: {  	p0 =	sgt.s32 s25, $0x1  }
0x54: {  	p2 =	seq.s32 @p0 s25, $0x2  }
0x55: {  	p1 =	por !p2, !p0  }
0x56: {  	p3 =	sgt.u32 @!p1 s22, $0x99;
	s26 =	simm.s32 @!p1 $0x3  }
0x57: {  	_ =	swait.ge @!p1 [sflag:s26], $0x2000;
	p3 =	por @p0 p3, !p2  }
0x58: {  	[sflag:s26] =	ssyncset.done @!p1 $0x0;
	p3 =	por p3, !p0  }
0x59: {  	[sflag:s26] =	ssyncadd.s32 @!p1 $0xFFFFE000;
	s26 =	simm.s32 @!p3 $0x80;
	s28 =	simm.s32 @!p3 $0xBD00  }
0x5a: {  	[tilespmem:s28], [sflag:$0x2] =	stream.indirect.gather @!p3 [hbm4b:s4+s26], $0x40, s23, s26, $0xb8;
	[tilespmem:$0x1BD00] =	vst v63  }
0x5b: {  	s26 =	simm.s32 @!p1 $0x80;
	s28 =	simm.s32 @!p1 $0xDD00;
	p3 =	por p2, !p0  }
0x5c: {  	[spmem:s2] =	stream.indirect.scatter.add.f32 @!p1 [tilespmem:s28], [sflag:$0x6], $0x40, s24, s26, $0xb8;
	[tilespmem:$0x1BD00] =	vst v63  }
0x5d: {  	p4 =	sgt.u32 @!p3 s22, $0x99;
	s26 =	simm.s32 @!p3 $0x4  }
0x5e: {  	p2 =	por @p0 p4, p2;
	_ =	swait.ge @!p3 [sflag:s26], $0x2000  }
0x5f: {  	p2 =	por p2, !p0;
	[sflag:s26] =	ssyncset.done @!p3 $0x0  }
0x60: {  	s28 =	simm.s32 @!p2 $0xDD00;
	[sflag:s26] =	ssyncadd.s32 @!p3 $0xFFFFE000;
	s26 =	simm.s32 @!p2 $0x80  }
0x61: {  	[tilespmem:s28], [sflag:$0x3] =	stream.indirect.gather @!p2 [hbm4b:s4+s26], $0x40, s23, s26, $0xb8;
	[tilespmem:$0x1BD00] =	vst v63  }
0x62: {  	s26 =	simm.s32 @!p3 $0x80;
	s28 =	simm.s32 @!p3 $0xFD00  }
0x63: {  	[spmem:s2] =	stream.indirect.scatter.add.f32 @!p3 [tilespmem:s28], [sflag:$0x5], $0x40, s24, s26, $0xb8;
	[tilespmem:$0x1BD00] =	vst v63  }
0x64: {  	p3 =	seq.s32 @!p0 s25, $0x0  }
0x65: {  	p2 =	por !p3, p0  }
0x66: {  	p4 =	sgt.u32 @!p2 s22, $0x99;
	s25 =	simm.s32 @!p2 $0x1  }
0x67: {  	_ =	swait.ge @!p2 [sflag:s25], $0x2000;
	p4 =	por @!p0 p4, !p3  }
0x68: {  	[sflag:s25] =	ssyncset.done @!p2 $0x0;
	p4 =	por p4, p0  }
0x69: {  	[sflag:s25] =	ssyncadd.s32 @!p2 $0xFFFFE000;
	s25 =	simm.s32 @!p4 $0x80;
	s26 =	simm.s32 @!p4 $0xFD00  }
0x6a: {  	[tilespmem:s26], [sflag:$0x4] =	stream.indirect.gather @!p4 [hbm4b:s4+s25], $0x40, s23, s25, $0xb8;
	[tilespmem:$0x1BD00] =	vst v63  }
0x6b: {  	s25 =	simm.s32 @!p2 $0x80;
	s26 =	simm.s32 @!p2 $0x9D00;
	p4 =	por p3, p0  }
0x6c: {  	[spmem:s2] =	stream.indirect.scatter.add.f32 @!p2 [tilespmem:s26], [sflag:$0x6], $0x40, s24, s25, $0xb8;
	[tilespmem:$0x1BD00] =	vst v63  }
0x6d: {  	p5 =	sgt.u32 @!p4 s22, $0x99;
	s25 =	simm.s32 @!p4 $0x2  }
0x6e: {  	p3 =	por @!p0 p5, p3;
	_ =	swait.ge @!p4 [sflag:s25], $0x2000  }
0x6f: {  	p3 =	por p3, p0;
	[sflag:s25] =	ssyncset.done @!p4 $0x0  }
0x70: {  	s28 =	simm.s32 @!p3 $0x9D00;
	[sflag:s25] =	ssyncadd.s32 @!p4 $0xFFFFE000;
	s25 =	simm.s32 @!p3 $0x80  }
0x71: {  	[tilespmem:s28], [sflag:$0x1] =	stream.indirect.gather @!p3 [hbm4b:s4+s25], $0x40, s23, s25, $0xb8;
	[tilespmem:$0x1BD00] =	vst v63  }
0x72: {  	s26 =	simm.s32 @!p1 $0x6;
	s25 =	simm.s32 @!p2 $0x6  }
0x73: {  	s22 =	sadd.s32 $0x1, s22;
	s26 =	simm.s32 @p1 $0x5;
	s25 =	simm.s32 @p2 $0x6  }
0x74: {  	s25 =	smov.u32 @p0 s26;
	p0 =	sne.s32 s22, $0x9D  }
.Ltmp2:
0x75: {  	s29 =	simm.s32 @!p4 $0xBD00;
	s28 =	simm.s32 @!p4 $0x80;
	(pc) =	sbr.rel @p0 .LBB2_6-.Ltmp2, $4  }
0x76: {  	[spmem:s2] =	stream.indirect.scatter.add.f32 @!p4 [tilespmem:s29], [sflag:$0x6], $0x40, s24, s28, $0xb8;
	[tilespmem:$0x1BD00] =	vst v63  }
0x77: {  	_ =	swait.ge [sflag:s25], $0x2000  }
0x78: {  	[sflag:s25] =	ssyncset.done $0x0  }
0x79: {  	s23 =	sadd.s32 $0x80, s23;
	s24 =	sadd.s32 $0x80, s24;
	[sflag:s25] =	ssyncadd.s32 $0xFFFFE000  }
0x7a: {  	s21 =	sadd.s32 $0x1, s21  }
0x7b: {  	s22 =	sshll.u32 s1, $0x6;
	[bflag:$0x0] =	sbarrier.arrive $0xFFFF;
	p0 =	sne.s32 s21, s13  }
.Ltmp3:
0x7c: {  	s23 =	sshrl.u32 s7, $0x3;
	s22 =	sor.u32 $0x1C05, s22;
	(pc) =	sbr.rel @p0 .LBB2_1-.Ltmp3, $4  }
0x7d: {  	[hbm:s12], [sflag:s22] =	dma.local [spmem:s23], $0x1400  }
0x7e: {  	_ =	swait.ge [sflag:s14], $0x1400  }
0x7f: {  	[sflag:s14] =	ssyncset.done $0x0  }
0x80: {  	[sflag:s14] =	ssyncadd.s32 $0xFFFFEC00  }
0x81: {  	_ =	sfence.sel $0x180000  }
0x82: {  	[bflag:$0x0] =	sbarrier.arrive $0xFFFF  }
0x83: {  	p0 =	sne.s32 s1, $0x0;
	_ =	strace $0x9000004A  }
0x84: {  	s0 =	sadd.s32 @!p0 $0x100000, s0;
	[bflag:$0x2] =	sbarrier.arrive $0xFFFF  }
0x85: {  	[sflag:s0] =	ssyncadd.tile.s32 @!p0 $0x1;
	_ =	shalt  }
.Lfunc_end2:
_tile_overlayer_lowered:
.L_overlay_start_2:
0x86: {  	(tag) =	ssettag $0x2  }
0x87: {  	s0 =	rddreg [dreg:$0x0];
	s2 =	stileid.u32  }
0x88: {  	s1 =	rddreg [dreg:$0x1];
	p0 =	sne.s32 s2, $0x0  }
0x89: {  	s3 =	rddreg [dreg:$0x2];
	[bflag:$0x3] =	sbarrier.arrive $0xFFFF;
	s2 =	simm.s32 @!p0 $0x1C05  }
0x8a: {  	[timem:s3], [sflag:s2] =	dma.local @!p0 [hbm:s0], s1  }
0x8b: {  	s0 =	simm.s32 @!p0 $0x5  }
0x8c: {  	_ =	swait.ge @!p0 [sflag:s0], s1  }
0x8d: {  	s1 =	ssub.s32 @!p0 $0x0, s1;
	[sflag:s0] =	ssyncset.done @!p0 $0x0  }
0x8e: {  	[sflag:s0] =	ssyncadd.s32 @!p0 s1  }
0x8f: {  	[bflag:$0x3] =	sbarrier.arrive $0xFFFF  }
0x90: {  	_ =	shalt  }

</sc_bundles>
